<compile_context>
chip_gen: v7x
topology: tpu7x:2x2x1
jax: 0.10.2.dev20260603
libtpu: 0.0.44.dev20260713+nightly
codegen_flags: <defaults>
</compile_context>

<pallas_src>
import functools

import jax
import jax.numpy as jnp
from jax import lax
from jax.experimental import pallas as pl
from jax.experimental.pallas import tpu as pltpu
from jax.experimental.pallas import tpu_sc as plsc

B_ROWS = 4096
SEQ = 50
D = 128
NUM_WORKERS = 32
S_PER_W = B_ROWS // NUM_WORKERS
NBUF = 8


def _emb_body(idx_hbm, table_hbm, out_hbm, idx_v, rows, gsem, osem):
    wid = lax.axis_index("s") * 2 + lax.axis_index("c")
    base = wid * S_PER_W
    pltpu.sync_copy(idx_hbm.at[wid], idx_v)

    for b in range(NBUF):
        pltpu.async_copy(table_hbm.at[idx_v.at[b]], rows.at[b], gsem.at[b])

    def body(i, carry):
        j0 = i * NBUF
        for b in range(NBUF):
            j = j0 + b
            pltpu.make_async_copy(
                table_hbm.at[idx_v.at[j]], rows.at[b], gsem.at[b]).wait()
            pltpu.async_copy(rows.at[b], out_hbm.at[base + j], osem.at[b])

            @pl.when(j + NBUF < S_PER_W)
            def _():
                pltpu.make_async_copy(
                    rows.at[b], out_hbm.at[base + j], osem.at[b]).wait()
                pltpu.async_copy(
                    table_hbm.at[idx_v.at[j + NBUF]], rows.at[b], gsem.at[b])
        return carry

    lax.fori_loop(0, S_PER_W // NBUF, body, 0)

    for b in range(NBUF):
        pltpu.make_async_copy(
            rows.at[b], out_hbm.at[base], osem.at[b]).wait()


def kernel(input, weight):
    idx = input.reshape(NUM_WORKERS, S_PER_W, SEQ).astype(jnp.int32)

    mesh = plsc.VectorSubcoreMesh(core_axis_name="c", subcore_axis_name="s")
    emb = functools.partial(
        pl.kernel,
        mesh=mesh,
        out_type=jax.ShapeDtypeStruct((B_ROWS, SEQ, D), jnp.float32),
        scratch_types=[
            pltpu.VMEM((S_PER_W, SEQ), jnp.int32),
            pltpu.VMEM((NBUF, SEQ, D), jnp.float32),
            pltpu.SemaphoreType.DMA((NBUF,)),
            pltpu.SemaphoreType.DMA((NBUF,)),
        ],
    )(_emb_body)

    return emb(idx, weight)

# --- scband reference (transcript-rebuilt; emitter-appended) ---
"""Pipeline reference for scband-embeddings-37366215475612 (READ-ONLY COPY).

The authoritative reference and input builder live on the scoring server;
editing this copy changes nothing except your own understanding.
"""

import jax, jax.numpy as jnp
import numpy as np

VOCAB_SIZE = 100000
D_MODEL = 128

def setup_inputs(seed: int = 0) -> dict:
    key = jax.random.key(seed)
    k_idx, k_w = jax.random.split(key)
    input = jax.random.randint(k_idx, (4096, 50), 0, VOCAB_SIZE, dtype=jnp.int64 if jax.config.jax_enable_x64 else jnp.int32)
    weight = jax.random.normal(k_w, (VOCAB_SIZE, D_MODEL), dtype=jnp.float32) * 0.02
    return {"input": input, "weight": weight}

def reference(input, weight):
    # nn.Embedding forward: gather rows of the table
    return jnp.take(weight, input, axis=0)

if __name__ == "__main__":
    import jax
    _d = setup_inputs()
    print(jax.jit(kernel)(*tuple(_d.values())))

</pallas_src>

<mosaic_0001>
#map = affine_map<(d0, d1) -> (0, 0, 0)>
#map1 = affine_map<(d0, d1) -> (0, 0)>
module attributes {stable_mosaic.version = 14 : i64} {
  func.func @_emb_body(%arg0: i32, %arg1: i32, %arg2: memref<32x128x50xi32, #tpu.memory_space<hbm>>, %arg3: memref<100000x128xf32, #tpu.memory_space<hbm>>, %arg4: memref<4096x50x128xf32, #tpu.memory_space<hbm>>, %arg5: memref<128x50xi32, #tpu.memory_space<vmem>>, %arg6: memref<8x50x128xf32, #tpu.memory_space<vmem>>, %arg7: memref<8x!tpu.dma_semaphore, #tpu.memory_space<semaphore_mem>>, %arg8: memref<8x!tpu.dma_semaphore, #tpu.memory_space<semaphore_mem>>) attributes {dimension_semantics = [#tpu.dimension_semantics<core_parallel>, #tpu.dimension_semantics<subcore_parallel>], iteration_bounds = array<i64: 2, 16>, scalar_prefetch = 0 : i64, scratch_operands = 4 : i64, tpu.core_type = #tpu.core_type<sc_vector_subcore>, window_params = [{transform_indices = #map}, {transform_indices = #map1}, {transform_indices = #map}]} {
    %mul3A = arith.constant 2 : i32
    %mul3A_0 = arith.muli %arg1, %mul3A : i32
    %add3A = arith.addi %mul3A_0, %arg0 : i32
    %mul3A_1 = arith.constant 128 : i32
    %mul3A_2 = arith.muli %add3A, %mul3A_1 : i32
    "tpu.region"() ({
      %run_scoped3A = tpu.sem_alloc : memref<!tpu.dma_semaphore, #tpu.memory_space<semaphore_mem>>
      %dma_start3A_286 = arith.constant 0 : i32
      %dma_start3A_287 = arith.constant 0 : i32
      %dma_start3A_288 = tpu.memref_slice %arg2[%add3A, %dma_start3A_286, %dma_start3A_287] : memref<32x128x50xi32, #tpu.memory_space<hbm>> -> memref<1x128x50xi32, #tpu.memory_space<hbm>>
      %dma_start3A_289 = tpu.memref_squeeze %dma_start3A_288 : memref<1x128x50xi32, #tpu.memory_space<hbm>> -> memref<128x50xi32, #tpu.memory_space<hbm>>
      %dma_start3A_290 = arith.constant 0 : i32
      %dma_start3A_291 = arith.constant 0 : i32
      %dma_start3A_292 = tpu.memref_slice %arg2[%add3A, %dma_start3A_290, %dma_start3A_291] : memref<32x128x50xi32, #tpu.memory_space<hbm>> -> memref<1x128x50xi32, #tpu.memory_space<hbm>>
      %dma_start3A_293 = tpu.memref_squeeze %dma_start3A_292 : memref<1x128x50xi32, #tpu.memory_space<hbm>> -> memref<128x50xi32, #tpu.memory_space<hbm>>
      tpu.enqueue_dma source(%dma_start3A_293 : memref<128x50xi32, #tpu.memory_space<hbm>>) target(%arg5 : memref<128x50xi32, #tpu.memory_space<vmem>>) target_semaphore(%run_scoped3A : memref<!tpu.dma_semaphore, #tpu.memory_space<semaphore_mem>>)
      %dma_wait3A_294 = arith.constant 0 : i32
      %dma_wait3A_295 = arith.constant 0 : i32
      %dma_wait3A_296 = tpu.memref_slice %arg2[%add3A, %dma_wait3A_294, %dma_wait3A_295] : memref<32x128x50xi32, #tpu.memory_space<hbm>> -> memref<1x128x50xi32, #tpu.memory_space<hbm>>
      %dma_wait3A_297 = tpu.memref_squeeze %dma_wait3A_296 : memref<1x128x50xi32, #tpu.memory_space<hbm>> -> memref<128x50xi32, #tpu.memory_space<hbm>>
      %dma_wait3A_298 = arith.constant 0 : i32
      %dma_wait3A_299 = arith.constant 0 : i32
      %dma_wait3A_300 = tpu.memref_slice %arg2[%add3A, %dma_wait3A_298, %dma_wait3A_299] : memref<32x128x50xi32, #tpu.memory_space<hbm>> -> memref<1x128x50xi32, #tpu.memory_space<hbm>>
      %dma_wait3A_301 = tpu.memref_squeeze %dma_wait3A_300 : memref<1x128x50xi32, #tpu.memory_space<hbm>> -> memref<128x50xi32, #tpu.memory_space<hbm>>
      tpu.wait_dma2 semaphore(%run_scoped3A : memref<!tpu.dma_semaphore, #tpu.memory_space<semaphore_mem>>) src(%dma_wait3A_301 : memref<128x50xi32, #tpu.memory_space<hbm>>) dst(%arg5 : memref<128x50xi32, #tpu.memory_space<vmem>>)
      tpu.yield
    }) : () -> ()
    %dma_start3A = arith.constant 0 : i32
    %dma_start3A_3 = arith.constant 0 : i32
    %dma_start3A_4 = arith.constant 0 : i32
    %dma_start3A_5 = arith.constant 0 : i32
    %dma_start3A_6 = arith.constant 0 : i32
    %dma_start3A_7 = tpu.memref_slice %arg6[%dma_start3A_3, %dma_start3A_5, %dma_start3A_6] : memref<8x50x128xf32, #tpu.memory_space<vmem>> -> memref<1x50x128xf32, #tpu.memory_space<vmem>>
    %dma_start3A_8 = tpu.memref_squeeze %dma_start3A_7 : memref<1x50x128xf32, #tpu.memory_space<vmem>> -> memref<50x128xf32, #tpu.memory_space<vmem>>
    %dma_start3A_9 = arith.constant 0 : i32
    %dma_start3A_10 = tpu.memref_slice %arg5[%dma_start3A, %dma_start3A_9] : memref<128x50xi32, #tpu.memory_space<vmem>> -> memref<1x50xi32, #tpu.memory_space<vmem>>
    %dma_start3A_11 = tpu.memref_squeeze %dma_start3A_10 : memref<1x50xi32, #tpu.memory_space<vmem>> -> memref<50xi32, #tpu.memory_space<vmem>>
    %dma_start3A_12 = arith.constant 0 : i32
    %dma_start3A_13 = arith.constant 0 : i32
    %dma_start3A_14 = tpu.memref_slice %arg3[%dma_start3A_12, %dma_start3A_13] : memref<100000x128xf32, #tpu.memory_space<hbm>> -> memref<100000x128xf32, #tpu.memory_space<hbm>>
    %dma_start3A_15 = tpu.memref_slice %arg7[%dma_start3A_4] : memref<8x!tpu.dma_semaphore, #tpu.memory_space<semaphore_mem>> -> memref<1x!tpu.dma_semaphore, #tpu.memory_space<semaphore_mem>>
    %dma_start3A_16 = tpu.memref_squeeze %dma_start3A_15 : memref<1x!tpu.dma_semaphore, #tpu.memory_space<semaphore_mem>> -> memref<!tpu.dma_semaphore, #tpu.memory_space<semaphore_mem>>
    tpu.enqueue_indirect_dma source(%dma_start3A_14 : memref<100000x128xf32, #tpu.memory_space<hbm>>) target(%dma_start3A_8 : memref<50x128xf32, #tpu.memory_space<vmem>>) offsets(%dma_start3A_11 : memref<50xi32, #tpu.memory_space<vmem>>) semaphore(%dma_start3A_16 : memref<!tpu.dma_semaphore, #tpu.memory_space<semaphore_mem>>)
    %dma_start3A_17 = arith.constant 1 : i32
    %dma_start3A_18 = arith.constant 1 : i32
    %dma_start3A_19 = arith.constant 1 : i32
    %dma_start3A_20 = arith.constant 0 : i32
    %dma_start3A_21 = arith.constant 0 : i32
    %dma_start3A_22 = tpu.memref_slice %arg6[%dma_start3A_18, %dma_start3A_20, %dma_start3A_21] : memref<8x50x128xf32, #tpu.memory_space<vmem>> -> memref<1x50x128xf32, #tpu.memory_space<vmem>>
    %dma_start3A_23 = tpu.memref_squeeze %dma_start3A_22 : memref<1x50x128xf32, #tpu.memory_space<vmem>> -> memref<50x128xf32, #tpu.memory_space<vmem>>
    %dma_start3A_24 = arith.constant 0 : i32
    %dma_start3A_25 = tpu.memref_slice %arg5[%dma_start3A_17, %dma_start3A_24] : memref<128x50xi32, #tpu.memory_space<vmem>> -> memref<1x50xi32, #tpu.memory_space<vmem>>
    %dma_start3A_26 = tpu.memref_squeeze %dma_start3A_25 : memref<1x50xi32, #tpu.memory_space<vmem>> -> memref<50xi32, #tpu.memory_space<vmem>>
    %dma_start3A_27 = arith.constant 0 : i32
    %dma_start3A_28 = arith.constant 0 : i32
    %dma_start3A_29 = tpu.memref_slice %arg3[%dma_start3A_27, %dma_start3A_28] : memref<100000x128xf32, #tpu.memory_space<hbm>> -> memref<100000x128xf32, #tpu.memory_space<hbm>>
    %dma_start3A_30 = tpu.memref_slice %arg7[%dma_start3A_19] : memref<8x!tpu.dma_semaphore, #tpu.memory_space<semaphore_mem>> -> memref<1x!tpu.dma_semaphore, #tpu.memory_space<semaphore_mem>>
    %dma_start3A_31 = tpu.memref_squeeze %dma_start3A_30 : memref<1x!tpu.dma_semaphore, #tpu.memory_space<semaphore_mem>> -> memref<!tpu.dma_semaphore, #tpu.memory_space<semaphore_mem>>
    tpu.enqueue_indirect_dma source(%dma_start3A_29 : memref<100000x128xf32, #tpu.memory_space<hbm>>) target(%dma_start3A_23 : memref<50x128xf32, #tpu.memory_space<vmem>>) offsets(%dma_start3A_26 : memref<50xi32, #tpu.memory_space<vmem>>) semaphore(%dma_start3A_31 : memref<!tpu.dma_semaphore, #tpu.memory_space<semaphore_mem>>)
    %dma_start3A_32 = arith.constant 2 : i32
    %dma_start3A_33 = arith.constant 2 : i32
    %dma_start3A_34 = arith.constant 2 : i32
    %dma_start3A_35 = arith.constant 0 : i32
    %dma_start3A_36 = arith.constant 0 : i32
    %dma_start3A_37 = tpu.memref_slice %arg6[%dma_start3A_33, %dma_start3A_35, %dma_start3A_36] : memref<8x50x128xf32, #tpu.memory_space<vmem>> -> memref<1x50x128xf32, #tpu.memory_space<vmem>>
    %dma_start3A_38 = tpu.memref_squeeze %dma_start3A_37 : memref<1x50x128xf32, #tpu.memory_space<vmem>> -> memref<50x128xf32, #tpu.memory_space<vmem>>
    %dma_start3A_39 = arith.constant 0 : i32
    %dma_start3A_40 = tpu.memref_slice %arg5[%dma_start3A_32, %dma_start3A_39] : memref<128x50xi32, #tpu.memory_space<vmem>> -> memref<1x50xi32, #tpu.memory_space<vmem>>
    %dma_start3A_41 = tpu.memref_squeeze %dma_start3A_40 : memref<1x50xi32, #tpu.memory_space<vmem>> -> memref<50xi32, #tpu.memory_space<vmem>>
    %dma_start3A_42 = arith.constant 0 : i32
    %dma_start3A_43 = arith.constant 0 : i32
    %dma_start3A_44 = tpu.memref_slice %arg3[%dma_start3A_42, %dma_start3A_43] : memref<100000x128xf32, #tpu.memory_space<hbm>> -> memref<100000x128xf32, #tpu.memory_space<hbm>>
    %dma_start3A_45 = tpu.memref_slice %arg7[%dma_start3A_34] : memref<8x!tpu.dma_semaphore, #tpu.memory_space<semaphore_mem>> -> memref<1x!tpu.dma_semaphore, #tpu.memory_space<semaphore_mem>>
    %dma_start3A_46 = tpu.memref_squeeze %dma_start3A_45 : memref<1x!tpu.dma_semaphore, #tpu.memory_space<semaphore_mem>> -> memref<!tpu.dma_semaphore, #tpu.memory_space<semaphore_mem>>
    tpu.enqueue_indirect_dma source(%dma_start3A_44 : memref<100000x128xf32, #tpu.memory_space<hbm>>) target(%dma_start3A_38 : memref<50x128xf32, #tpu.memory_space<vmem>>) offsets(%dma_start3A_41 : memref<50xi32, #tpu.memory_space<vmem>>) semaphore(%dma_start3A_46 : memref<!tpu.dma_semaphore, #tpu.memory_space<semaphore_mem>>)
    %dma_start3A_47 = arith.constant 3 : i32
    %dma_start3A_48 = arith.constant 3 : i32
    %dma_start3A_49 = arith.constant 3 : i32
    %dma_start3A_50 = arith.constant 0 : i32
    %dma_start3A_51 = arith.constant 0 : i32
    %dma_start3A_52 = tpu.memref_slice %arg6[%dma_start3A_48, %dma_start3A_50, %dma_start3A_51] : memref<8x50x128xf32, #tpu.memory_space<vmem>> -> memref<1x50x128xf32, #tpu.memory_space<vmem>>
    %dma_start3A_53 = tpu.memref_squeeze %dma_start3A_52 : memref<1x50x128xf32, #tpu.memory_space<vmem>> -> memref<50x128xf32, #tpu.memory_space<vmem>>
    %dma_start3A_54 = arith.constant 0 : i32
    %dma_start3A_55 = tpu.memref_slice %arg5[%dma_start3A_47, %dma_start3A_54] : memref<128x50xi32, #tpu.memory_space<vmem>> -> memref<1x50xi32, #tpu.memory_space<vmem>>
    %dma_start3A_56 = tpu.memref_squeeze %dma_start3A_55 : memref<1x50xi32, #tpu.memory_space<vmem>> -> memref<50xi32, #tpu.memory_space<vmem>>
    %dma_start3A_57 = arith.constant 0 : i32
    %dma_start3A_58 = arith.constant 0 : i32
    %dma_start3A_59 = tpu.memref_slice %arg3[%dma_start3A_57, %dma_start3A_58] : memref<100000x128xf32, #tpu.memory_space<hbm>> -> memref<100000x128xf32, #tpu.memory_space<hbm>>
    %dma_start3A_60 = tpu.memref_slice %arg7[%dma_start3A_49] : memref<8x!tpu.dma_semaphore, #tpu.memory_space<semaphore_mem>> -> memref<1x!tpu.dma_semaphore, #tpu.memory_space<semaphore_mem>>
    %dma_start3A_61 = tpu.memref_squeeze %dma_start3A_60 : memref<1x!tpu.dma_semaphore, #tpu.memory_space<semaphore_mem>> -> memref<!tpu.dma_semaphore, #tpu.memory_space<semaphore_mem>>
    tpu.enqueue_indirect_dma source(%dma_start3A_59 : memref<100000x128xf32, #tpu.memory_space<hbm>>) target(%dma_start3A_53 : memref<50x128xf32, #tpu.memory_space<vmem>>) offsets(%dma_start3A_56 : memref<50xi32, #tpu.memory_space<vmem>>) semaphore(%dma_start3A_61 : memref<!tpu.dma_semaphore, #tpu.memory_space<semaphore_mem>>)
    %dma_start3A_62 = arith.constant 4 : i32
    %dma_start3A_63 = arith.constant 4 : i32
    %dma_start3A_64 = arith.constant 4 : i32
    %dma_start3A_65 = arith.constant 0 : i32
    %dma_start3A_66 = arith.constant 0 : i32
    %dma_start3A_67 = tpu.memref_slice %arg6[%dma_start3A_63, %dma_start3A_65, %dma_start3A_66] : memref<8x50x128xf32, #tpu.memory_space<vmem>> -> memref<1x50x128xf32, #tpu.memory_space<vmem>>
    %dma_start3A_68 = tpu.memref_squeeze %dma_start3A_67 : memref<1x50x128xf32, #tpu.memory_space<vmem>> -> memref<50x128xf32, #tpu.memory_space<vmem>>
    %dma_start3A_69 = arith.constant 0 : i32
    %dma_start3A_70 = tpu.memref_slice %arg5[%dma_start3A_62, %dma_start3A_69] : memref<128x50xi32, #tpu.memory_space<vmem>> -> memref<1x50xi32, #tpu.memory_space<vmem>>
    %dma_start3A_71 = tpu.memref_squeeze %dma_start3A_70 : memref<1x50xi32, #tpu.memory_space<vmem>> -> memref<50xi32, #tpu.memory_space<vmem>>
    %dma_start3A_72 = arith.constant 0 : i32
    %dma_start3A_73 = arith.constant 0 : i32
    %dma_start3A_74 = tpu.memref_slice %arg3[%dma_start3A_72, %dma_start3A_73] : memref<100000x128xf32, #tpu.memory_space<hbm>> -> memref<100000x128xf32, #tpu.memory_space<hbm>>
    %dma_start3A_75 = tpu.memref_slice %arg7[%dma_start3A_64] : memref<8x!tpu.dma_semaphore, #tpu.memory_space<semaphore_mem>> -> memref<1x!tpu.dma_semaphore, #tpu.memory_space<semaphore_mem>>
    %dma_start3A_76 = tpu.memref_squeeze %dma_start3A_75 : memref<1x!tpu.dma_semaphore, #tpu.memory_space<semaphore_mem>> -> memref<!tpu.dma_semaphore, #tpu.memory_space<semaphore_mem>>
    tpu.enqueue_indirect_dma source(%dma_start3A_74 : memref<100000x128xf32, #tpu.memory_space<hbm>>) target(%dma_start3A_68 : memref<50x128xf32, #tpu.memory_space<vmem>>) offsets(%dma_start3A_71 : memref<50xi32, #tpu.memory_space<vmem>>) semaphore(%dma_start3A_76 : memref<!tpu.dma_semaphore, #tpu.memory_space<semaphore_mem>>)
    %dma_start3A_77 = arith.constant 5 : i32
    %dma_start3A_78 = arith.constant 5 : i32
    %dma_start3A_79 = arith.constant 5 : i32
    %dma_start3A_80 = arith.constant 0 : i32
    %dma_start3A_81 = arith.constant 0 : i32
    %dma_start3A_82 = tpu.memref_slice %arg6[%dma_start3A_78, %dma_start3A_80, %dma_start3A_81] : memref<8x50x128xf32, #tpu.memory_space<vmem>> -> memref<1x50x128xf32, #tpu.memory_space<vmem>>
    %dma_start3A_83 = tpu.memref_squeeze %dma_start3A_82 : memref<1x50x128xf32, #tpu.memory_space<vmem>> -> memref<50x128xf32, #tpu.memory_space<vmem>>
    %dma_start3A_84 = arith.constant 0 : i32
    %dma_start3A_85 = tpu.memref_slice %arg5[%dma_start3A_77, %dma_start3A_84] : memref<128x50xi32, #tpu.memory_space<vmem>> -> memref<1x50xi32, #tpu.memory_space<vmem>>
    %dma_start3A_86 = tpu.memref_squeeze %dma_start3A_85 : memref<1x50xi32, #tpu.memory_space<vmem>> -> memref<50xi32, #tpu.memory_space<vmem>>
    %dma_start3A_87 = arith.constant 0 : i32
    %dma_start3A_88 = arith.constant 0 : i32
    %dma_start3A_89 = tpu.memref_slice %arg3[%dma_start3A_87, %dma_start3A_88] : memref<100000x128xf32, #tpu.memory_space<hbm>> -> memref<100000x128xf32, #tpu.memory_space<hbm>>
    %dma_start3A_90 = tpu.memref_slice %arg7[%dma_start3A_79] : memref<8x!tpu.dma_semaphore, #tpu.memory_space<semaphore_mem>> -> memref<1x!tpu.dma_semaphore, #tpu.memory_space<semaphore_mem>>
    %dma_start3A_91 = tpu.memref_squeeze %dma_start3A_90 : memref<1x!tpu.dma_semaphore, #tpu.memory_space<semaphore_mem>> -> memref<!tpu.dma_semaphore, #tpu.memory_space<semaphore_mem>>
    tpu.enqueue_indirect_dma source(%dma_start3A_89 : memref<100000x128xf32, #tpu.memory_space<hbm>>) target(%dma_start3A_83 : memref<50x128xf32, #tpu.memory_space<vmem>>) offsets(%dma_start3A_86 : memref<50xi32, #tpu.memory_space<vmem>>) semaphore(%dma_start3A_91 : memref<!tpu.dma_semaphore, #tpu.memory_space<semaphore_mem>>)
    %dma_start3A_92 = arith.constant 6 : i32
    %dma_start3A_93 = arith.constant 6 : i32
    %dma_start3A_94 = arith.constant 6 : i32
    %dma_start3A_95 = arith.constant 0 : i32
    %dma_start3A_96 = arith.constant 0 : i32
    %dma_start3A_97 = tpu.memref_slice %arg6[%dma_start3A_93, %dma_start3A_95, %dma_start3A_96] : memref<8x50x128xf32, #tpu.memory_space<vmem>> -> memref<1x50x128xf32, #tpu.memory_space<vmem>>
    %dma_start3A_98 = tpu.memref_squeeze %dma_start3A_97 : memref<1x50x128xf32, #tpu.memory_space<vmem>> -> memref<50x128xf32, #tpu.memory_space<vmem>>
    %dma_start3A_99 = arith.constant 0 : i32
    %dma_start3A_100 = tpu.memref_slice %arg5[%dma_start3A_92, %dma_start3A_99] : memref<128x50xi32, #tpu.memory_space<vmem>> -> memref<1x50xi32, #tpu.memory_space<vmem>>
    %dma_start3A_101 = tpu.memref_squeeze %dma_start3A_100 : memref<1x50xi32, #tpu.memory_space<vmem>> -> memref<50xi32, #tpu.memory_space<vmem>>
    %dma_start3A_102 = arith.constant 0 : i32
    %dma_start3A_103 = arith.constant 0 : i32
    %dma_start3A_104 = tpu.memref_slice %arg3[%dma_start3A_102, %dma_start3A_103] : memref<100000x128xf32, #tpu.memory_space<hbm>> -> memref<100000x128xf32, #tpu.memory_space<hbm>>
    %dma_start3A_105 = tpu.memref_slice %arg7[%dma_start3A_94] : memref<8x!tpu.dma_semaphore, #tpu.memory_space<semaphore_mem>> -> memref<1x!tpu.dma_semaphore, #tpu.memory_space<semaphore_mem>>
    %dma_start3A_106 = tpu.memref_squeeze %dma_start3A_105 : memref<1x!tpu.dma_semaphore, #tpu.memory_space<semaphore_mem>> -> memref<!tpu.dma_semaphore, #tpu.memory_space<semaphore_mem>>
    tpu.enqueue_indirect_dma source(%dma_start3A_104 : memref<100000x128xf32, #tpu.memory_space<hbm>>) target(%dma_start3A_98 : memref<50x128xf32, #tpu.memory_space<vmem>>) offsets(%dma_start3A_101 : memref<50xi32, #tpu.memory_space<vmem>>) semaphore(%dma_start3A_106 : memref<!tpu.dma_semaphore, #tpu.memory_space<semaphore_mem>>)
    %dma_start3A_107 = arith.constant 7 : i32
    %dma_start3A_108 = arith.constant 7 : i32
    %dma_start3A_109 = arith.constant 7 : i32
    %dma_start3A_110 = arith.constant 0 : i32
    %dma_start3A_111 = arith.constant 0 : i32
    %dma_start3A_112 = tpu.memref_slice %arg6[%dma_start3A_108, %dma_start3A_110, %dma_start3A_111] : memref<8x50x128xf32, #tpu.memory_space<vmem>> -> memref<1x50x128xf32, #tpu.memory_space<vmem>>
    %dma_start3A_113 = tpu.memref_squeeze %dma_start3A_112 : memref<1x50x128xf32, #tpu.memory_space<vmem>> -> memref<50x128xf32, #tpu.memory_space<vmem>>
    %dma_start3A_114 = arith.constant 0 : i32
    %dma_start3A_115 = tpu.memref_slice %arg5[%dma_start3A_107, %dma_start3A_114] : memref<128x50xi32, #tpu.memory_space<vmem>> -> memref<1x50xi32, #tpu.memory_space<vmem>>
    %dma_start3A_116 = tpu.memref_squeeze %dma_start3A_115 : memref<1x50xi32, #tpu.memory_space<vmem>> -> memref<50xi32, #tpu.memory_space<vmem>>
    %dma_start3A_117 = arith.constant 0 : i32
    %dma_start3A_118 = arith.constant 0 : i32
    %dma_start3A_119 = tpu.memref_slice %arg3[%dma_start3A_117, %dma_start3A_118] : memref<100000x128xf32, #tpu.memory_space<hbm>> -> memref<100000x128xf32, #tpu.memory_space<hbm>>
    %dma_start3A_120 = tpu.memref_slice %arg7[%dma_start3A_109] : memref<8x!tpu.dma_semaphore, #tpu.memory_space<semaphore_mem>> -> memref<1x!tpu.dma_semaphore, #tpu.memory_space<semaphore_mem>>
    %dma_start3A_121 = tpu.memref_squeeze %dma_start3A_120 : memref<1x!tpu.dma_semaphore, #tpu.memory_space<semaphore_mem>> -> memref<!tpu.dma_semaphore, #tpu.memory_space<semaphore_mem>>
    tpu.enqueue_indirect_dma source(%dma_start3A_119 : memref<100000x128xf32, #tpu.memory_space<hbm>>) target(%dma_start3A_113 : memref<50x128xf32, #tpu.memory_space<vmem>>) offsets(%dma_start3A_116 : memref<50xi32, #tpu.memory_space<vmem>>) semaphore(%dma_start3A_121 : memref<!tpu.dma_semaphore, #tpu.memory_space<semaphore_mem>>)
    %scan3A = arith.constant 0 : i32
    %scan3A_122 = arith.constant 0 : i32
    %scan3A_123 = arith.constant 16 : i32
    %scan3A_124 = arith.addi %scan3A_122, %scan3A_123 : i32
    %scan3A_125 = arith.constant 1 : i32
    scf.for %scan3A_286 = %scan3A_122 to %scan3A_124 step %scan3A_125  : i32 {
      %mul3A_287 = arith.constant 8 : i32
      %mul3A_288 = arith.muli %scan3A_286, %mul3A_287 : i32
      %add3A_289 = arith.constant 0 : i32
      %add3A_290 = arith.addi %mul3A_288, %add3A_289 : i32
      %dma_wait3A_291 = arith.constant 0 : i32
      %dma_wait3A_292 = arith.constant 0 : i32
      %dma_wait3A_293 = arith.constant 0 : i32
      %dma_wait3A_294 = arith.constant 0 : i32
      %dma_wait3A_295 = tpu.memref_slice %arg6[%dma_wait3A_291, %dma_wait3A_293, %dma_wait3A_294] : memref<8x50x128xf32, #tpu.memory_space<vmem>> -> memref<1x50x128xf32, #tpu.memory_space<vmem>>
      %dma_wait3A_296 = tpu.memref_squeeze %dma_wait3A_295 : memref<1x50x128xf32, #tpu.memory_space<vmem>> -> memref<50x128xf32, #tpu.memory_space<vmem>>
      %dma_wait3A_297 = arith.constant 0 : i32
      %dma_wait3A_298 = tpu.memref_slice %arg5[%add3A_290, %dma_wait3A_297] : memref<128x50xi32, #tpu.memory_space<vmem>> -> memref<1x50xi32, #tpu.memory_space<vmem>>
      %dma_wait3A_299 = tpu.memref_squeeze %dma_wait3A_298 : memref<1x50xi32, #tpu.memory_space<vmem>> -> memref<50xi32, #tpu.memory_space<vmem>>
      %dma_wait3A_300 = arith.constant 0 : i32
      %dma_wait3A_301 = arith.constant 0 : i32
      %dma_wait3A_302 = tpu.memref_slice %arg3[%dma_wait3A_300, %dma_wait3A_301] : memref<100000x128xf32, #tpu.memory_space<hbm>> -> memref<100000x128xf32, #tpu.memory_space<hbm>>
      %dma_wait3A_303 = tpu.memref_slice %arg7[%dma_wait3A_292] : memref<8x!tpu.dma_semaphore, #tpu.memory_space<semaphore_mem>> -> memref<1x!tpu.dma_semaphore, #tpu.memory_space<semaphore_mem>>
      %dma_wait3A_304 = tpu.memref_squeeze %dma_wait3A_303 : memref<1x!tpu.dma_semaphore, #tpu.memory_space<semaphore_mem>> -> memref<!tpu.dma_semaphore, #tpu.memory_space<semaphore_mem>>
      tpu.wait_indirect_dma semaphore(%dma_wait3A_304 : memref<!tpu.dma_semaphore, #tpu.memory_space<semaphore_mem>>) src(%dma_wait3A_302 : memref<100000x128xf32, #tpu.memory_space<hbm>>) dst(%dma_wait3A_296 : memref<50x128xf32, #tpu.memory_space<vmem>>)
      %add3A_305 = arith.addi %mul3A_2, %add3A_290 : i32
      %dma_start3A_306 = arith.constant 0 : i32
      %dma_start3A_307 = arith.constant 0 : i32
      %dma_start3A_308 = arith.constant 0 : i32
      %dma_start3A_309 = arith.constant 0 : i32
      %dma_start3A_310 = tpu.memref_slice %arg6[%dma_start3A_306, %dma_start3A_308, %dma_start3A_309] : memref<8x50x128xf32, #tpu.memory_space<vmem>> -> memref<1x50x128xf32, #tpu.memory_space<vmem>>
      %dma_start3A_311 = tpu.memref_squeeze %dma_start3A_310 : memref<1x50x128xf32, #tpu.memory_space<vmem>> -> memref<50x128xf32, #tpu.memory_space<vmem>>
      %dma_start3A_312 = arith.constant 0 : i32
      %dma_start3A_313 = arith.constant 0 : i32
      %dma_start3A_314 = tpu.memref_slice %arg4[%add3A_305, %dma_start3A_312, %dma_start3A_313] : memref<4096x50x128xf32, #tpu.memory_space<hbm>> -> memref<1x50x128xf32, #tpu.memory_space<hbm>>
      %dma_start3A_315 = tpu.memref_squeeze %dma_start3A_314 : memref<1x50x128xf32, #tpu.memory_space<hbm>> -> memref<50x128xf32, #tpu.memory_space<hbm>>
      %dma_start3A_316 = tpu.memref_slice %arg8[%dma_start3A_307] : memref<8x!tpu.dma_semaphore, #tpu.memory_space<semaphore_mem>> -> memref<1x!tpu.dma_semaphore, #tpu.memory_space<semaphore_mem>>
      %dma_start3A_317 = tpu.memref_squeeze %dma_start3A_316 : memref<1x!tpu.dma_semaphore, #tpu.memory_space<semaphore_mem>> -> memref<!tpu.dma_semaphore, #tpu.memory_space<semaphore_mem>>
      %dma_start3A_318 = arith.constant 0 : i32
      %dma_start3A_319 = arith.constant 0 : i32
      %dma_start3A_320 = tpu.memref_slice %arg4[%add3A_305, %dma_start3A_318, %dma_start3A_319] : memref<4096x50x128xf32, #tpu.memory_space<hbm>> -> memref<1x50x128xf32, #tpu.memory_space<hbm>>
      %dma_start3A_321 = tpu.memref_squeeze %dma_start3A_320 : memref<1x50x128xf32, #tpu.memory_space<hbm>> -> memref<50x128xf32, #tpu.memory_space<hbm>>
      %dma_start3A_322 = arith.constant 0 : i32
      %dma_start3A_323 = arith.constant 0 : i32
      %dma_start3A_324 = tpu.memref_slice %arg6[%dma_start3A_306, %dma_start3A_322, %dma_start3A_323] : memref<8x50x128xf32, #tpu.memory_space<vmem>> -> memref<1x50x128xf32, #tpu.memory_space<vmem>>
      %dma_start3A_325 = tpu.memref_squeeze %dma_start3A_324 : memref<1x50x128xf32, #tpu.memory_space<vmem>> -> memref<50x128xf32, #tpu.memory_space<vmem>>
      tpu.enqueue_dma source(%dma_start3A_325 : memref<50x128xf32, #tpu.memory_space<vmem>>) target(%dma_start3A_321 : memref<50x128xf32, #tpu.memory_space<hbm>>) target_semaphore(%dma_start3A_317 : memref<!tpu.dma_semaphore, #tpu.memory_space<semaphore_mem>>)
      %add3A_326 = arith.constant 8 : i32
      %add3A_327 = arith.addi %add3A_290, %add3A_326 : i32
      %lt3A = arith.constant 128 : i32
      %lt3A_328 = arith.cmpi slt, %add3A_327, %lt3A : i32
      %convert_element_type3A = arith.extui %lt3A_328 : i1 to i32
      %cond3A = arith.constant 0 : i32
      %cond3A_329 = arith.cmpi ne, %convert_element_type3A, %cond3A : i32
      scf.if %cond3A_329 {
        %add3A_638 = arith.addi %mul3A_2, %add3A_290 : i32
        %dma_wait3A_639 = arith.constant 0 : i32
        %dma_wait3A_640 = arith.constant 0 : i32
        %dma_wait3A_641 = arith.constant 0 : i32
        %dma_wait3A_642 = arith.constant 0 : i32
        %dma_wait3A_643 = tpu.memref_slice %arg6[%dma_wait3A_639, %dma_wait3A_641, %dma_wait3A_642] : memref<8x50x128xf32, #tpu.memory_space<vmem>> -> memref<1x50x128xf32, #tpu.memory_space<vmem>>
        %dma_wait3A_644 = tpu.memref_squeeze %dma_wait3A_643 : memref<1x50x128xf32, #tpu.memory_space<vmem>> -> memref<50x128xf32, #tpu.memory_space<vmem>>
        %dma_wait3A_645 = arith.constant 0 : i32
        %dma_wait3A_646 = arith.constant 0 : i32
        %dma_wait3A_647 = tpu.memref_slice %arg4[%add3A_638, %dma_wait3A_645, %dma_wait3A_646] : memref<4096x50x128xf32, #tpu.memory_space<hbm>> -> memref<1x50x128xf32, #tpu.memory_space<hbm>>
        %dma_wait3A_648 = tpu.memref_squeeze %dma_wait3A_647 : memref<1x50x128xf32, #tpu.memory_space<hbm>> -> memref<50x128xf32, #tpu.memory_space<hbm>>
        %dma_wait3A_649 = tpu.memref_slice %arg8[%dma_wait3A_640] : memref<8x!tpu.dma_semaphore, #tpu.memory_space<semaphore_mem>> -> memref<1x!tpu.dma_semaphore, #tpu.memory_space<semaphore_mem>>
        %dma_wait3A_650 = tpu.memref_squeeze %dma_wait3A_649 : memref<1x!tpu.dma_semaphore, #tpu.memory_space<semaphore_mem>> -> memref<!tpu.dma_semaphore, #tpu.memory_space<semaphore_mem>>
        %dma_wait3A_651 = arith.constant 0 : i32
        %dma_wait3A_652 = arith.constant 0 : i32
        %dma_wait3A_653 = tpu.memref_slice %arg4[%add3A_638, %dma_wait3A_651, %dma_wait3A_652] : memref<4096x50x128xf32, #tpu.memory_space<hbm>> -> memref<1x50x128xf32, #tpu.memory_space<hbm>>
        %dma_wait3A_654 = tpu.memref_squeeze %dma_wait3A_653 : memref<1x50x128xf32, #tpu.memory_space<hbm>> -> memref<50x128xf32, #tpu.memory_space<hbm>>
        %dma_wait3A_655 = arith.constant 0 : i32
        %dma_wait3A_656 = arith.constant 0 : i32
        %dma_wait3A_657 = tpu.memref_slice %arg6[%dma_wait3A_639, %dma_wait3A_655, %dma_wait3A_656] : memref<8x50x128xf32, #tpu.memory_space<vmem>> -> memref<1x50x128xf32, #tpu.memory_space<vmem>>
        %dma_wait3A_658 = tpu.memref_squeeze %dma_wait3A_657 : memref<1x50x128xf32, #tpu.memory_space<vmem>> -> memref<50x128xf32, #tpu.memory_space<vmem>>
        tpu.wait_dma2 semaphore(%dma_wait3A_650 : memref<!tpu.dma_semaphore, #tpu.memory_space<semaphore_mem>>) src(%dma_wait3A_658 : memref<50x128xf32, #tpu.memory_space<vmem>>) dst(%dma_wait3A_654 : memref<50x128xf32, #tpu.memory_space<hbm>>)
        %add3A_659 = arith.constant 8 : i32
        %add3A_660 = arith.addi %add3A_290, %add3A_659 : i32
        %dma_start3A_661 = arith.constant 0 : i32
        %dma_start3A_662 = arith.constant 0 : i32
        %dma_start3A_663 = arith.constant 0 : i32
        %dma_start3A_664 = arith.constant 0 : i32
        %dma_start3A_665 = tpu.memref_slice %arg6[%dma_start3A_661, %dma_start3A_663, %dma_start3A_664] : memref<8x50x128xf32, #tpu.memory_space<vmem>> -> memref<1x50x128xf32, #tpu.memory_space<vmem>>
        %dma_start3A_666 = tpu.memref_squeeze %dma_start3A_665 : memref<1x50x128xf32, #tpu.memory_space<vmem>> -> memref<50x128xf32, #tpu.memory_space<vmem>>
        %dma_start3A_667 = arith.constant 0 : i32
        %dma_start3A_668 = tpu.memref_slice %arg5[%add3A_660, %dma_start3A_667] : memref<128x50xi32, #tpu.memory_space<vmem>> -> memref<1x50xi32, #tpu.memory_space<vmem>>
        %dma_start3A_669 = tpu.memref_squeeze %dma_start3A_668 : memref<1x50xi32, #tpu.memory_space<vmem>> -> memref<50xi32, #tpu.memory_space<vmem>>
        %dma_start3A_670 = arith.constant 0 : i32
        %dma_start3A_671 = arith.constant 0 : i32
        %dma_start3A_672 = tpu.memref_slice %arg3[%dma_start3A_670, %dma_start3A_671] : memref<100000x128xf32, #tpu.memory_space<hbm>> -> memref<100000x128xf32, #tpu.memory_space<hbm>>
        %dma_start3A_673 = tpu.memref_slice %arg7[%dma_start3A_662] : memref<8x!tpu.dma_semaphore, #tpu.memory_space<semaphore_mem>> -> memref<1x!tpu.dma_semaphore, #tpu.memory_space<semaphore_mem>>
        %dma_start3A_674 = tpu.memref_squeeze %dma_start3A_673 : memref<1x!tpu.dma_semaphore, #tpu.memory_space<semaphore_mem>> -> memref<!tpu.dma_semaphore, #tpu.memory_space<semaphore_mem>>
        tpu.enqueue_indirect_dma source(%dma_start3A_672 : memref<100000x128xf32, #tpu.memory_space<hbm>>) target(%dma_start3A_666 : memref<50x128xf32, #tpu.memory_space<vmem>>) offsets(%dma_start3A_669 : memref<50xi32, #tpu.memory_space<vmem>>) semaphore(%dma_start3A_674 : memref<!tpu.dma_semaphore, #tpu.memory_space<semaphore_mem>>)
      } else {
      }
      %add3A_330 = arith.constant 1 : i32
      %add3A_331 = arith.addi %mul3A_288, %add3A_330 : i32
      %dma_wait3A_332 = arith.constant 1 : i32
      %dma_wait3A_333 = arith.constant 1 : i32
      %dma_wait3A_334 = arith.constant 0 : i32
      %dma_wait3A_335 = arith.constant 0 : i32
      %dma_wait3A_336 = tpu.memref_slice %arg6[%dma_wait3A_332, %dma_wait3A_334, %dma_wait3A_335] : memref<8x50x128xf32, #tpu.memory_space<vmem>> -> memref<1x50x128xf32, #tpu.memory_space<vmem>>
      %dma_wait3A_337 = tpu.memref_squeeze %dma_wait3A_336 : memref<1x50x128xf32, #tpu.memory_space<vmem>> -> memref<50x128xf32, #tpu.memory_space<vmem>>
      %dma_wait3A_338 = arith.constant 0 : i32
      %dma_wait3A_339 = tpu.memref_slice %arg5[%add3A_331, %dma_wait3A_338] : memref<128x50xi32, #tpu.memory_space<vmem>> -> memref<1x50xi32, #tpu.memory_space<vmem>>
      %dma_wait3A_340 = tpu.memref_squeeze %dma_wait3A_339 : memref<1x50xi32, #tpu.memory_space<vmem>> -> memref<50xi32, #tpu.memory_space<vmem>>
      %dma_wait3A_341 = arith.constant 0 : i32
      %dma_wait3A_342 = arith.constant 0 : i32
      %dma_wait3A_343 = tpu.memref_slice %arg3[%dma_wait3A_341, %dma_wait3A_342] : memref<100000x128xf32, #tpu.memory_space<hbm>> -> memref<100000x128xf32, #tpu.memory_space<hbm>>
      %dma_wait3A_344 = tpu.memref_slice %arg7[%dma_wait3A_333] : memref<8x!tpu.dma_semaphore, #tpu.memory_space<semaphore_mem>> -> memref<1x!tpu.dma_semaphore, #tpu.memory_space<semaphore_mem>>
      %dma_wait3A_345 = tpu.memref_squeeze %dma_wait3A_344 : memref<1x!tpu.dma_semaphore, #tpu.memory_space<semaphore_mem>> -> memref<!tpu.dma_semaphore, #tpu.memory_space<semaphore_mem>>
      tpu.wait_indirect_dma semaphore(%dma_wait3A_345 : memref<!tpu.dma_semaphore, #tpu.memory_space<semaphore_mem>>) src(%dma_wait3A_343 : memref<100000x128xf32, #tpu.memory_space<hbm>>) dst(%dma_wait3A_337 : memref<50x128xf32, #tpu.memory_space<vmem>>)
      %add3A_346 = arith.addi %mul3A_2, %add3A_331 : i32
      %dma_start3A_347 = arith.constant 1 : i32
      %dma_start3A_348 = arith.constant 1 : i32
      %dma_start3A_349 = arith.constant 0 : i32
      %dma_start3A_350 = arith.constant 0 : i32
      %dma_start3A_351 = tpu.memref_slice %arg6[%dma_start3A_347, %dma_start3A_349, %dma_start3A_350] : memref<8x50x128xf32, #tpu.memory_space<vmem>> -> memref<1x50x128xf32, #tpu.memory_space<vmem>>
      %dma_start3A_352 = tpu.memref_squeeze %dma_start3A_351 : memref<1x50x128xf32, #tpu.memory_space<vmem>> -> memref<50x128xf32, #tpu.memory_space<vmem>>
      %dma_start3A_353 = arith.constant 0 : i32
      %dma_start3A_354 = arith.constant 0 : i32
      %dma_start3A_355 = tpu.memref_slice %arg4[%add3A_346, %dma_start3A_353, %dma_start3A_354] : memref<4096x50x128xf32, #tpu.memory_space<hbm>> -> memref<1x50x128xf32, #tpu.memory_space<hbm>>
      %dma_start3A_356 = tpu.memref_squeeze %dma_start3A_355 : memref<1x50x128xf32, #tpu.memory_space<hbm>> -> memref<50x128xf32, #tpu.memory_space<hbm>>
      %dma_start3A_357 = tpu.memref_slice %arg8[%dma_start3A_348] : memref<8x!tpu.dma_semaphore, #tpu.memory_space<semaphore_mem>> -> memref<1x!tpu.dma_semaphore, #tpu.memory_space<semaphore_mem>>
      %dma_start3A_358 = tpu.memref_squeeze %dma_start3A_357 : memref<1x!tpu.dma_semaphore, #tpu.memory_space<semaphore_mem>> -> memref<!tpu.dma_semaphore, #tpu.memory_space<semaphore_mem>>
      %dma_start3A_359 = arith.constant 0 : i32
      %dma_start3A_360 = arith.constant 0 : i32
      %dma_start3A_361 = tpu.memref_slice %arg4[%add3A_346, %dma_start3A_359, %dma_start3A_360] : memref<4096x50x128xf32, #tpu.memory_space<hbm>> -> memref<1x50x128xf32, #tpu.memory_space<hbm>>
      %dma_start3A_362 = tpu.memref_squeeze %dma_start3A_361 : memref<1x50x128xf32, #tpu.memory_space<hbm>> -> memref<50x128xf32, #tpu.memory_space<hbm>>
      %dma_start3A_363 = arith.constant 0 : i32
      %dma_start3A_364 = arith.constant 0 : i32
      %dma_start3A_365 = tpu.memref_slice %arg6[%dma_start3A_347, %dma_start3A_363, %dma_start3A_364] : memref<8x50x128xf32, #tpu.memory_space<vmem>> -> memref<1x50x128xf32, #tpu.memory_space<vmem>>
      %dma_start3A_366 = tpu.memref_squeeze %dma_start3A_365 : memref<1x50x128xf32, #tpu.memory_space<vmem>> -> memref<50x128xf32, #tpu.memory_space<vmem>>
      tpu.enqueue_dma source(%dma_start3A_366 : memref<50x128xf32, #tpu.memory_space<vmem>>) target(%dma_start3A_362 : memref<50x128xf32, #tpu.memory_space<hbm>>) target_semaphore(%dma_start3A_358 : memref<!tpu.dma_semaphore, #tpu.memory_space<semaphore_mem>>)
      %add3A_367 = arith.constant 8 : i32
      %add3A_368 = arith.addi %add3A_331, %add3A_367 : i32
      %lt3A_369 = arith.constant 128 : i32
      %lt3A_370 = arith.cmpi slt, %add3A_368, %lt3A_369 : i32
      %convert_element_type3A_371 = arith.extui %lt3A_370 : i1 to i32
      %cond3A_372 = arith.constant 0 : i32
      %cond3A_373 = arith.cmpi ne, %convert_element_type3A_371, %cond3A_372 : i32
      scf.if %cond3A_373 {
        %add3A_638 = arith.addi %mul3A_2, %add3A_331 : i32
        %dma_wait3A_639 = arith.constant 1 : i32
        %dma_wait3A_640 = arith.constant 1 : i32
        %dma_wait3A_641 = arith.constant 0 : i32
        %dma_wait3A_642 = arith.constant 0 : i32
        %dma_wait3A_643 = tpu.memref_slice %arg6[%dma_wait3A_639, %dma_wait3A_641, %dma_wait3A_642] : memref<8x50x128xf32, #tpu.memory_space<vmem>> -> memref<1x50x128xf32, #tpu.memory_space<vmem>>
        %dma_wait3A_644 = tpu.memref_squeeze %dma_wait3A_643 : memref<1x50x128xf32, #tpu.memory_space<vmem>> -> memref<50x128xf32, #tpu.memory_space<vmem>>
        %dma_wait3A_645 = arith.constant 0 : i32
        %dma_wait3A_646 = arith.constant 0 : i32
        %dma_wait3A_647 = tpu.memref_slice %arg4[%add3A_638, %dma_wait3A_645, %dma_wait3A_646] : memref<4096x50x128xf32, #tpu.memory_space<hbm>> -> memref<1x50x128xf32, #tpu.memory_space<hbm>>
        %dma_wait3A_648 = tpu.memref_squeeze %dma_wait3A_647 : memref<1x50x128xf32, #tpu.memory_space<hbm>> -> memref<50x128xf32, #tpu.memory_space<hbm>>
        %dma_wait3A_649 = tpu.memref_slice %arg8[%dma_wait3A_640] : memref<8x!tpu.dma_semaphore, #tpu.memory_space<semaphore_mem>> -> memref<1x!tpu.dma_semaphore, #tpu.memory_space<semaphore_mem>>
        %dma_wait3A_650 = tpu.memref_squeeze %dma_wait3A_649 : memref<1x!tpu.dma_semaphore, #tpu.memory_space<semaphore_mem>> -> memref<!tpu.dma_semaphore, #tpu.memory_space<semaphore_mem>>
        %dma_wait3A_651 = arith.constant 0 : i32
        %dma_wait3A_652 = arith.constant 0 : i32
        %dma_wait3A_653 = tpu.memref_slice %arg4[%add3A_638, %dma_wait3A_651, %dma_wait3A_652] : memref<4096x50x128xf32, #tpu.memory_space<hbm>> -> memref<1x50x128xf32, #tpu.memory_space<hbm>>
        %dma_wait3A_654 = tpu.memref_squeeze %dma_wait3A_653 : memref<1x50x128xf32, #tpu.memory_space<hbm>> -> memref<50x128xf32, #tpu.memory_space<hbm>>
        %dma_wait3A_655 = arith.constant 0 : i32
        %dma_wait3A_656 = arith.constant 0 : i32
        %dma_wait3A_657 = tpu.memref_slice %arg6[%dma_wait3A_639, %dma_wait3A_655, %dma_wait3A_656] : memref<8x50x128xf32, #tpu.memory_space<vmem>> -> memref<1x50x128xf32, #tpu.memory_space<vmem>>
        %dma_wait3A_658 = tpu.memref_squeeze %dma_wait3A_657 : memref<1x50x128xf32, #tpu.memory_space<vmem>> -> memref<50x128xf32, #tpu.memory_space<vmem>>
        tpu.wait_dma2 semaphore(%dma_wait3A_650 : memref<!tpu.dma_semaphore, #tpu.memory_space<semaphore_mem>>) src(%dma_wait3A_658 : memref<50x128xf32, #tpu.memory_space<vmem>>) dst(%dma_wait3A_654 : memref<50x128xf32, #tpu.memory_space<hbm>>)
        %add3A_659 = arith.constant 8 : i32
        %add3A_660 = arith.addi %add3A_331, %add3A_659 : i32
        %dma_start3A_661 = arith.constant 1 : i32
        %dma_start3A_662 = arith.constant 1 : i32
        %dma_start3A_663 = arith.constant 0 : i32
        %dma_start3A_664 = arith.constant 0 : i32
        %dma_start3A_665 = tpu.memref_slice %arg6[%dma_start3A_661, %dma_start3A_663, %dma_start3A_664] : memref<8x50x128xf32, #tpu.memory_space<vmem>> -> memref<1x50x128xf32, #tpu.memory_space<vmem>>
        %dma_start3A_666 = tpu.memref_squeeze %dma_start3A_665 : memref<1x50x128xf32, #tpu.memory_space<vmem>> -> memref<50x128xf32, #tpu.memory_space<vmem>>
        %dma_start3A_667 = arith.constant 0 : i32
        %dma_start3A_668 = tpu.memref_slice %arg5[%add3A_660, %dma_start3A_667] : memref<128x50xi32, #tpu.memory_space<vmem>> -> memref<1x50xi32, #tpu.memory_space<vmem>>
        %dma_start3A_669 = tpu.memref_squeeze %dma_start3A_668 : memref<1x50xi32, #tpu.memory_space<vmem>> -> memref<50xi32, #tpu.memory_space<vmem>>
        %dma_start3A_670 = arith.constant 0 : i32
        %dma_start3A_671 = arith.constant 0 : i32
        %dma_start3A_672 = tpu.memref_slice %arg3[%dma_start3A_670, %dma_start3A_671] : memref<100000x128xf32, #tpu.memory_space<hbm>> -> memref<100000x128xf32, #tpu.memory_space<hbm>>
        %dma_start3A_673 = tpu.memref_slice %arg7[%dma_start3A_662] : memref<8x!tpu.dma_semaphore, #tpu.memory_space<semaphore_mem>> -> memref<1x!tpu.dma_semaphore, #tpu.memory_space<semaphore_mem>>
        %dma_start3A_674 = tpu.memref_squeeze %dma_start3A_673 : memref<1x!tpu.dma_semaphore, #tpu.memory_space<semaphore_mem>> -> memref<!tpu.dma_semaphore, #tpu.memory_space<semaphore_mem>>
        tpu.enqueue_indirect_dma source(%dma_start3A_672 : memref<100000x128xf32, #tpu.memory_space<hbm>>) target(%dma_start3A_666 : memref<50x128xf32, #tpu.memory_space<vmem>>) offsets(%dma_start3A_669 : memref<50xi32, #tpu.memory_space<vmem>>) semaphore(%dma_start3A_674 : memref<!tpu.dma_semaphore, #tpu.memory_space<semaphore_mem>>)
      } else {
      }
      %add3A_374 = arith.constant 2 : i32
      %add3A_375 = arith.addi %mul3A_288, %add3A_374 : i32
      %dma_wait3A_376 = arith.constant 2 : i32
      %dma_wait3A_377 = arith.constant 2 : i32
      %dma_wait3A_378 = arith.constant 0 : i32
      %dma_wait3A_379 = arith.constant 0 : i32
      %dma_wait3A_380 = tpu.memref_slice %arg6[%dma_wait3A_376, %dma_wait3A_378, %dma_wait3A_379] : memref<8x50x128xf32, #tpu.memory_space<vmem>> -> memref<1x50x128xf32, #tpu.memory_space<vmem>>
      %dma_wait3A_381 = tpu.memref_squeeze %dma_wait3A_380 : memref<1x50x128xf32, #tpu.memory_space<vmem>> -> memref<50x128xf32, #tpu.memory_space<vmem>>
      %dma_wait3A_382 = arith.constant 0 : i32
      %dma_wait3A_383 = tpu.memref_slice %arg5[%add3A_375, %dma_wait3A_382] : memref<128x50xi32, #tpu.memory_space<vmem>> -> memref<1x50xi32, #tpu.memory_space<vmem>>
      %dma_wait3A_384 = tpu.memref_squeeze %dma_wait3A_383 : memref<1x50xi32, #tpu.memory_space<vmem>> -> memref<50xi32, #tpu.memory_space<vmem>>
      %dma_wait3A_385 = arith.constant 0 : i32
      %dma_wait3A_386 = arith.constant 0 : i32
      %dma_wait3A_387 = tpu.memref_slice %arg3[%dma_wait3A_385, %dma_wait3A_386] : memref<100000x128xf32, #tpu.memory_space<hbm>> -> memref<100000x128xf32, #tpu.memory_space<hbm>>
      %dma_wait3A_388 = tpu.memref_slice %arg7[%dma_wait3A_377] : memref<8x!tpu.dma_semaphore, #tpu.memory_space<semaphore_mem>> -> memref<1x!tpu.dma_semaphore, #tpu.memory_space<semaphore_mem>>
      %dma_wait3A_389 = tpu.memref_squeeze %dma_wait3A_388 : memref<1x!tpu.dma_semaphore, #tpu.memory_space<semaphore_mem>> -> memref<!tpu.dma_semaphore, #tpu.memory_space<semaphore_mem>>
      tpu.wait_indirect_dma semaphore(%dma_wait3A_389 : memref<!tpu.dma_semaphore, #tpu.memory_space<semaphore_mem>>) src(%dma_wait3A_387 : memref<100000x128xf32, #tpu.memory_space<hbm>>) dst(%dma_wait3A_381 : memref<50x128xf32, #tpu.memory_space<vmem>>)
      %add3A_390 = arith.addi %mul3A_2, %add3A_375 : i32
      %dma_start3A_391 = arith.constant 2 : i32
      %dma_start3A_392 = arith.constant 2 : i32
      %dma_start3A_393 = arith.constant 0 : i32
      %dma_start3A_394 = arith.constant 0 : i32
      %dma_start3A_395 = tpu.memref_slice %arg6[%dma_start3A_391, %dma_start3A_393, %dma_start3A_394] : memref<8x50x128xf32, #tpu.memory_space<vmem>> -> memref<1x50x128xf32, #tpu.memory_space<vmem>>
      %dma_start3A_396 = tpu.memref_squeeze %dma_start3A_395 : memref<1x50x128xf32, #tpu.memory_space<vmem>> -> memref<50x128xf32, #tpu.memory_space<vmem>>
      %dma_start3A_397 = arith.constant 0 : i32
      %dma_start3A_398 = arith.constant 0 : i32
      %dma_start3A_399 = tpu.memref_slice %arg4[%add3A_390, %dma_start3A_397, %dma_start3A_398] : memref<4096x50x128xf32, #tpu.memory_space<hbm>> -> memref<1x50x128xf32, #tpu.memory_space<hbm>>
      %dma_start3A_400 = tpu.memref_squeeze %dma_start3A_399 : memref<1x50x128xf32, #tpu.memory_space<hbm>> -> memref<50x128xf32, #tpu.memory_space<hbm>>
      %dma_start3A_401 = tpu.memref_slice %arg8[%dma_start3A_392] : memref<8x!tpu.dma_semaphore, #tpu.memory_space<semaphore_mem>> -> memref<1x!tpu.dma_semaphore, #tpu.memory_space<semaphore_mem>>
      %dma_start3A_402 = tpu.memref_squeeze %dma_start3A_401 : memref<1x!tpu.dma_semaphore, #tpu.memory_space<semaphore_mem>> -> memref<!tpu.dma_semaphore, #tpu.memory_space<semaphore_mem>>
      %dma_start3A_403 = arith.constant 0 : i32
      %dma_start3A_404 = arith.constant 0 : i32
      %dma_start3A_405 = tpu.memref_slice %arg4[%add3A_390, %dma_start3A_403, %dma_start3A_404] : memref<4096x50x128xf32, #tpu.memory_space<hbm>> -> memref<1x50x128xf32, #tpu.memory_space<hbm>>
      %dma_start3A_406 = tpu.memref_squeeze %dma_start3A_405 : memref<1x50x128xf32, #tpu.memory_space<hbm>> -> memref<50x128xf32, #tpu.memory_space<hbm>>
      %dma_start3A_407 = arith.constant 0 : i32
      %dma_start3A_408 = arith.constant 0 : i32
      %dma_start3A_409 = tpu.memref_slice %arg6[%dma_start3A_391, %dma_start3A_407, %dma_start3A_408] : memref<8x50x128xf32, #tpu.memory_space<vmem>> -> memref<1x50x128xf32, #tpu.memory_space<vmem>>
      %dma_start3A_410 = tpu.memref_squeeze %dma_start3A_409 : memref<1x50x128xf32, #tpu.memory_space<vmem>> -> memref<50x128xf32, #tpu.memory_space<vmem>>
      tpu.enqueue_dma source(%dma_start3A_410 : memref<50x128xf32, #tpu.memory_space<vmem>>) target(%dma_start3A_406 : memref<50x128xf32, #tpu.memory_space<hbm>>) target_semaphore(%dma_start3A_402 : memref<!tpu.dma_semaphore, #tpu.memory_space<semaphore_mem>>)
      %add3A_411 = arith.constant 8 : i32
      %add3A_412 = arith.addi %add3A_375, %add3A_411 : i32
      %lt3A_413 = arith.constant 128 : i32
      %lt3A_414 = arith.cmpi slt, %add3A_412, %lt3A_413 : i32
      %convert_element_type3A_415 = arith.extui %lt3A_414 : i1 to i32
      %cond3A_416 = arith.constant 0 : i32
      %cond3A_417 = arith.cmpi ne, %convert_element_type3A_415, %cond3A_416 : i32
      scf.if %cond3A_417 {
        %add3A_638 = arith.addi %mul3A_2, %add3A_375 : i32
        %dma_wait3A_639 = arith.constant 2 : i32
        %dma_wait3A_640 = arith.constant 2 : i32
        %dma_wait3A_641 = arith.constant 0 : i32
        %dma_wait3A_642 = arith.constant 0 : i32
        %dma_wait3A_643 = tpu.memref_slice %arg6[%dma_wait3A_639, %dma_wait3A_641, %dma_wait3A_642] : memref<8x50x128xf32, #tpu.memory_space<vmem>> -> memref<1x50x128xf32, #tpu.memory_space<vmem>>
        %dma_wait3A_644 = tpu.memref_squeeze %dma_wait3A_643 : memref<1x50x128xf32, #tpu.memory_space<vmem>> -> memref<50x128xf32, #tpu.memory_space<vmem>>
        %dma_wait3A_645 = arith.constant 0 : i32
        %dma_wait3A_646 = arith.constant 0 : i32
        %dma_wait3A_647 = tpu.memref_slice %arg4[%add3A_638, %dma_wait3A_645, %dma_wait3A_646] : memref<4096x50x128xf32, #tpu.memory_space<hbm>> -> memref<1x50x128xf32, #tpu.memory_space<hbm>>
        %dma_wait3A_648 = tpu.memref_squeeze %dma_wait3A_647 : memref<1x50x128xf32, #tpu.memory_space<hbm>> -> memref<50x128xf32, #tpu.memory_space<hbm>>
        %dma_wait3A_649 = tpu.memref_slice %arg8[%dma_wait3A_640] : memref<8x!tpu.dma_semaphore, #tpu.memory_space<semaphore_mem>> -> memref<1x!tpu.dma_semaphore, #tpu.memory_space<semaphore_mem>>
        %dma_wait3A_650 = tpu.memref_squeeze %dma_wait3A_649 : memref<1x!tpu.dma_semaphore, #tpu.memory_space<semaphore_mem>> -> memref<!tpu.dma_semaphore, #tpu.memory_space<semaphore_mem>>
        %dma_wait3A_651 = arith.constant 0 : i32
        %dma_wait3A_652 = arith.constant 0 : i32
        %dma_wait3A_653 = tpu.memref_slice %arg4[%add3A_638, %dma_wait3A_651, %dma_wait3A_652] : memref<4096x50x128xf32, #tpu.memory_space<hbm>> -> memref<1x50x128xf32, #tpu.memory_space<hbm>>
        %dma_wait3A_654 = tpu.memref_squeeze %dma_wait3A_653 : memref<1x50x128xf32, #tpu.memory_space<hbm>> -> memref<50x128xf32, #tpu.memory_space<hbm>>
        %dma_wait3A_655 = arith.constant 0 : i32
        %dma_wait3A_656 = arith.constant 0 : i32
        %dma_wait3A_657 = tpu.memref_slice %arg6[%dma_wait3A_639, %dma_wait3A_655, %dma_wait3A_656] : memref<8x50x128xf32, #tpu.memory_space<vmem>> -> memref<1x50x128xf32, #tpu.memory_space<vmem>>
        %dma_wait3A_658 = tpu.memref_squeeze %dma_wait3A_657 : memref<1x50x128xf32, #tpu.memory_space<vmem>> -> memref<50x128xf32, #tpu.memory_space<vmem>>
        tpu.wait_dma2 semaphore(%dma_wait3A_650 : memref<!tpu.dma_semaphore, #tpu.memory_space<semaphore_mem>>) src(%dma_wait3A_658 : memref<50x128xf32, #tpu.memory_space<vmem>>) dst(%dma_wait3A_654 : memref<50x128xf32, #tpu.memory_space<hbm>>)
        %add3A_659 = arith.constant 8 : i32
        %add3A_660 = arith.addi %add3A_375, %add3A_659 : i32
        %dma_start3A_661 = arith.constant 2 : i32
        %dma_start3A_662 = arith.constant 2 : i32
        %dma_start3A_663 = arith.constant 0 : i32
        %dma_start3A_664 = arith.constant 0 : i32
        %dma_start3A_665 = tpu.memref_slice %arg6[%dma_start3A_661, %dma_start3A_663, %dma_start3A_664] : memref<8x50x128xf32, #tpu.memory_space<vmem>> -> memref<1x50x128xf32, #tpu.memory_space<vmem>>
        %dma_start3A_666 = tpu.memref_squeeze %dma_start3A_665 : memref<1x50x128xf32, #tpu.memory_space<vmem>> -> memref<50x128xf32, #tpu.memory_space<vmem>>
        %dma_start3A_667 = arith.constant 0 : i32
        %dma_start3A_668 = tpu.memref_slice %arg5[%add3A_660, %dma_start3A_667] : memref<128x50xi32, #tpu.memory_space<vmem>> -> memref<1x50xi32, #tpu.memory_space<vmem>>
        %dma_start3A_669 = tpu.memref_squeeze %dma_start3A_668 : memref<1x50xi32, #tpu.memory_space<vmem>> -> memref<50xi32, #tpu.memory_space<vmem>>
        %dma_start3A_670 = arith.constant 0 : i32
        %dma_start3A_671 = arith.constant 0 : i32
        %dma_start3A_672 = tpu.memref_slice %arg3[%dma_start3A_670, %dma_start3A_671] : memref<100000x128xf32, #tpu.memory_space<hbm>> -> memref<100000x128xf32, #tpu.memory_space<hbm>>
        %dma_start3A_673 = tpu.memref_slice %arg7[%dma_start3A_662] : memref<8x!tpu.dma_semaphore, #tpu.memory_space<semaphore_mem>> -> memref<1x!tpu.dma_semaphore, #tpu.memory_space<semaphore_mem>>
        %dma_start3A_674 = tpu.memref_squeeze %dma_start3A_673 : memref<1x!tpu.dma_semaphore, #tpu.memory_space<semaphore_mem>> -> memref<!tpu.dma_semaphore, #tpu.memory_space<semaphore_mem>>
        tpu.enqueue_indirect_dma source(%dma_start3A_672 : memref<100000x128xf32, #tpu.memory_space<hbm>>) target(%dma_start3A_666 : memref<50x128xf32, #tpu.memory_space<vmem>>) offsets(%dma_start3A_669 : memref<50xi32, #tpu.memory_space<vmem>>) semaphore(%dma_start3A_674 : memref<!tpu.dma_semaphore, #tpu.memory_space<semaphore_mem>>)
      } else {
      }
      %add3A_418 = arith.constant 3 : i32
      %add3A_419 = arith.addi %mul3A_288, %add3A_418 : i32
      %dma_wait3A_420 = arith.constant 3 : i32
      %dma_wait3A_421 = arith.constant 3 : i32
      %dma_wait3A_422 = arith.constant 0 : i32
      %dma_wait3A_423 = arith.constant 0 : i32
      %dma_wait3A_424 = tpu.memref_slice %arg6[%dma_wait3A_420, %dma_wait3A_422, %dma_wait3A_423] : memref<8x50x128xf32, #tpu.memory_space<vmem>> -> memref<1x50x128xf32, #tpu.memory_space<vmem>>
      %dma_wait3A_425 = tpu.memref_squeeze %dma_wait3A_424 : memref<1x50x128xf32, #tpu.memory_space<vmem>> -> memref<50x128xf32, #tpu.memory_space<vmem>>
      %dma_wait3A_426 = arith.constant 0 : i32
      %dma_wait3A_427 = tpu.memref_slice %arg5[%add3A_419, %dma_wait3A_426] : memref<128x50xi32, #tpu.memory_space<vmem>> -> memref<1x50xi32, #tpu.memory_space<vmem>>
      %dma_wait3A_428 = tpu.memref_squeeze %dma_wait3A_427 : memref<1x50xi32, #tpu.memory_space<vmem>> -> memref<50xi32, #tpu.memory_space<vmem>>
      %dma_wait3A_429 = arith.constant 0 : i32
      %dma_wait3A_430 = arith.constant 0 : i32
      %dma_wait3A_431 = tpu.memref_slice %arg3[%dma_wait3A_429, %dma_wait3A_430] : memref<100000x128xf32, #tpu.memory_space<hbm>> -> memref<100000x128xf32, #tpu.memory_space<hbm>>
      %dma_wait3A_432 = tpu.memref_slice %arg7[%dma_wait3A_421] : memref<8x!tpu.dma_semaphore, #tpu.memory_space<semaphore_mem>> -> memref<1x!tpu.dma_semaphore, #tpu.memory_space<semaphore_mem>>
      %dma_wait3A_433 = tpu.memref_squeeze %dma_wait3A_432 : memref<1x!tpu.dma_semaphore, #tpu.memory_space<semaphore_mem>> -> memref<!tpu.dma_semaphore, #tpu.memory_space<semaphore_mem>>
      tpu.wait_indirect_dma semaphore(%dma_wait3A_433 : memref<!tpu.dma_semaphore, #tpu.memory_space<semaphore_mem>>) src(%dma_wait3A_431 : memref<100000x128xf32, #tpu.memory_space<hbm>>) dst(%dma_wait3A_425 : memref<50x128xf32, #tpu.memory_space<vmem>>)
      %add3A_434 = arith.addi %mul3A_2, %add3A_419 : i32
      %dma_start3A_435 = arith.constant 3 : i32
      %dma_start3A_436 = arith.constant 3 : i32
      %dma_start3A_437 = arith.constant 0 : i32
      %dma_start3A_438 = arith.constant 0 : i32
      %dma_start3A_439 = tpu.memref_slice %arg6[%dma_start3A_435, %dma_start3A_437, %dma_start3A_438] : memref<8x50x128xf32, #tpu.memory_space<vmem>> -> memref<1x50x128xf32, #tpu.memory_space<vmem>>
      %dma_start3A_440 = tpu.memref_squeeze %dma_start3A_439 : memref<1x50x128xf32, #tpu.memory_space<vmem>> -> memref<50x128xf32, #tpu.memory_space<vmem>>
      %dma_start3A_441 = arith.constant 0 : i32
      %dma_start3A_442 = arith.constant 0 : i32
      %dma_start3A_443 = tpu.memref_slice %arg4[%add3A_434, %dma_start3A_441, %dma_start3A_442] : memref<4096x50x128xf32, #tpu.memory_space<hbm>> -> memref<1x50x128xf32, #tpu.memory_space<hbm>>
      %dma_start3A_444 = tpu.memref_squeeze %dma_start3A_443 : memref<1x50x128xf32, #tpu.memory_space<hbm>> -> memref<50x128xf32, #tpu.memory_space<hbm>>
      %dma_start3A_445 = tpu.memref_slice %arg8[%dma_start3A_436] : memref<8x!tpu.dma_semaphore, #tpu.memory_space<semaphore_mem>> -> memref<1x!tpu.dma_semaphore, #tpu.memory_space<semaphore_mem>>
      %dma_start3A_446 = tpu.memref_squeeze %dma_start3A_445 : memref<1x!tpu.dma_semaphore, #tpu.memory_space<semaphore_mem>> -> memref<!tpu.dma_semaphore, #tpu.memory_space<semaphore_mem>>
      %dma_start3A_447 = arith.constant 0 : i32
      %dma_start3A_448 = arith.constant 0 : i32
      %dma_start3A_449 = tpu.memref_slice %arg4[%add3A_434, %dma_start3A_447, %dma_start3A_448] : memref<4096x50x128xf32, #tpu.memory_space<hbm>> -> memref<1x50x128xf32, #tpu.memory_space<hbm>>
      %dma_start3A_450 = tpu.memref_squeeze %dma_start3A_449 : memref<1x50x128xf32, #tpu.memory_space<hbm>> -> memref<50x128xf32, #tpu.memory_space<hbm>>
      %dma_start3A_451 = arith.constant 0 : i32
      %dma_start3A_452 = arith.constant 0 : i32
      %dma_start3A_453 = tpu.memref_slice %arg6[%dma_start3A_435, %dma_start3A_451, %dma_start3A_452] : memref<8x50x128xf32, #tpu.memory_space<vmem>> -> memref<1x50x128xf32, #tpu.memory_space<vmem>>
      %dma_start3A_454 = tpu.memref_squeeze %dma_start3A_453 : memref<1x50x128xf32, #tpu.memory_space<vmem>> -> memref<50x128xf32, #tpu.memory_space<vmem>>
      tpu.enqueue_dma source(%dma_start3A_454 : memref<50x128xf32, #tpu.memory_space<vmem>>) target(%dma_start3A_450 : memref<50x128xf32, #tpu.memory_space<hbm>>) target_semaphore(%dma_start3A_446 : memref<!tpu.dma_semaphore, #tpu.memory_space<semaphore_mem>>)
      %add3A_455 = arith.constant 8 : i32
      %add3A_456 = arith.addi %add3A_419, %add3A_455 : i32
      %lt3A_457 = arith.constant 128 : i32
      %lt3A_458 = arith.cmpi slt, %add3A_456, %lt3A_457 : i32
      %convert_element_type3A_459 = arith.extui %lt3A_458 : i1 to i32
      %cond3A_460 = arith.constant 0 : i32
      %cond3A_461 = arith.cmpi ne, %convert_element_type3A_459, %cond3A_460 : i32
      scf.if %cond3A_461 {
        %add3A_638 = arith.addi %mul3A_2, %add3A_419 : i32
        %dma_wait3A_639 = arith.constant 3 : i32
        %dma_wait3A_640 = arith.constant 3 : i32
        %dma_wait3A_641 = arith.constant 0 : i32
        %dma_wait3A_642 = arith.constant 0 : i32
        %dma_wait3A_643 = tpu.memref_slice %arg6[%dma_wait3A_639, %dma_wait3A_641, %dma_wait3A_642] : memref<8x50x128xf32, #tpu.memory_space<vmem>> -> memref<1x50x128xf32, #tpu.memory_space<vmem>>
        %dma_wait3A_644 = tpu.memref_squeeze %dma_wait3A_643 : memref<1x50x128xf32, #tpu.memory_space<vmem>> -> memref<50x128xf32, #tpu.memory_space<vmem>>
        %dma_wait3A_645 = arith.constant 0 : i32
        %dma_wait3A_646 = arith.constant 0 : i32
        %dma_wait3A_647 = tpu.memref_slice %arg4[%add3A_638, %dma_wait3A_645, %dma_wait3A_646] : memref<4096x50x128xf32, #tpu.memory_space<hbm>> -> memref<1x50x128xf32, #tpu.memory_space<hbm>>
        %dma_wait3A_648 = tpu.memref_squeeze %dma_wait3A_647 : memref<1x50x128xf32, #tpu.memory_space<hbm>> -> memref<50x128xf32, #tpu.memory_space<hbm>>
        %dma_wait3A_649 = tpu.memref_slice %arg8[%dma_wait3A_640] : memref<8x!tpu.dma_semaphore, #tpu.memory_space<semaphore_mem>> -> memref<1x!tpu.dma_semaphore, #tpu.memory_space<semaphore_mem>>
        %dma_wait3A_650 = tpu.memref_squeeze %dma_wait3A_649 : memref<1x!tpu.dma_semaphore, #tpu.memory_space<semaphore_mem>> -> memref<!tpu.dma_semaphore, #tpu.memory_space<semaphore_mem>>
        %dma_wait3A_651 = arith.constant 0 : i32
        %dma_wait3A_652 = arith.constant 0 : i32
        %dma_wait3A_653 = tpu.memref_slice %arg4[%add3A_638, %dma_wait3A_651, %dma_wait3A_652] : memref<4096x50x128xf32, #tpu.memory_space<hbm>> -> memref<1x50x128xf32, #tpu.memory_space<hbm>>
        %dma_wait3A_654 = tpu.memref_squeeze %dma_wait3A_653 : memref<1x50x128xf32, #tpu.memory_space<hbm>> -> memref<50x128xf32, #tpu.memory_space<hbm>>
        %dma_wait3A_655 = arith.constant 0 : i32
        %dma_wait3A_656 = arith.constant 0 : i32
        %dma_wait3A_657 = tpu.memref_slice %arg6[%dma_wait3A_639, %dma_wait3A_655, %dma_wait3A_656] : memref<8x50x128xf32, #tpu.memory_space<vmem>> -> memref<1x50x128xf32, #tpu.memory_space<vmem>>
        %dma_wait3A_658 = tpu.memref_squeeze %dma_wait3A_657 : memref<1x50x128xf32, #tpu.memory_space<vmem>> -> memref<50x128xf32, #tpu.memory_space<vmem>>
        tpu.wait_dma2 semaphore(%dma_wait3A_650 : memref<!tpu.dma_semaphore, #tpu.memory_space<semaphore_mem>>) src(%dma_wait3A_658 : memref<50x128xf32, #tpu.memory_space<vmem>>) dst(%dma_wait3A_654 : memref<50x128xf32, #tpu.memory_space<hbm>>)
        %add3A_659 = arith.constant 8 : i32
        %add3A_660 = arith.addi %add3A_419, %add3A_659 : i32
        %dma_start3A_661 = arith.constant 3 : i32
        %dma_start3A_662 = arith.constant 3 : i32
        %dma_start3A_663 = arith.constant 0 : i32
        %dma_start3A_664 = arith.constant 0 : i32
        %dma_start3A_665 = tpu.memref_slice %arg6[%dma_start3A_661, %dma_start3A_663, %dma_start3A_664] : memref<8x50x128xf32, #tpu.memory_space<vmem>> -> memref<1x50x128xf32, #tpu.memory_space<vmem>>
        %dma_start3A_666 = tpu.memref_squeeze %dma_start3A_665 : memref<1x50x128xf32, #tpu.memory_space<vmem>> -> memref<50x128xf32, #tpu.memory_space<vmem>>
        %dma_start3A_667 = arith.constant 0 : i32
        %dma_start3A_668 = tpu.memref_slice %arg5[%add3A_660, %dma_start3A_667] : memref<128x50xi32, #tpu.memory_space<vmem>> -> memref<1x50xi32, #tpu.memory_space<vmem>>
        %dma_start3A_669 = tpu.memref_squeeze %dma_start3A_668 : memref<1x50xi32, #tpu.memory_space<vmem>> -> memref<50xi32, #tpu.memory_space<vmem>>
        %dma_start3A_670 = arith.constant 0 : i32
        %dma_start3A_671 = arith.constant 0 : i32
        %dma_start3A_672 = tpu.memref_slice %arg3[%dma_start3A_670, %dma_start3A_671] : memref<100000x128xf32, #tpu.memory_space<hbm>> -> memref<100000x128xf32, #tpu.memory_space<hbm>>
        %dma_start3A_673 = tpu.memref_slice %arg7[%dma_start3A_662] : memref<8x!tpu.dma_semaphore, #tpu.memory_space<semaphore_mem>> -> memref<1x!tpu.dma_semaphore, #tpu.memory_space<semaphore_mem>>
        %dma_start3A_674 = tpu.memref_squeeze %dma_start3A_673 : memref<1x!tpu.dma_semaphore, #tpu.memory_space<semaphore_mem>> -> memref<!tpu.dma_semaphore, #tpu.memory_space<semaphore_mem>>
        tpu.enqueue_indirect_dma source(%dma_start3A_672 : memref<100000x128xf32, #tpu.memory_space<hbm>>) target(%dma_start3A_666 : memref<50x128xf32, #tpu.memory_space<vmem>>) offsets(%dma_start3A_669 : memref<50xi32, #tpu.memory_space<vmem>>) semaphore(%dma_start3A_674 : memref<!tpu.dma_semaphore, #tpu.memory_space<semaphore_mem>>)
      } else {
      }
      %add3A_462 = arith.constant 4 : i32
      %add3A_463 = arith.addi %mul3A_288, %add3A_462 : i32
      %dma_wait3A_464 = arith.constant 4 : i32
      %dma_wait3A_465 = arith.constant 4 : i32
      %dma_wait3A_466 = arith.constant 0 : i32
      %dma_wait3A_467 = arith.constant 0 : i32
      %dma_wait3A_468 = tpu.memref_slice %arg6[%dma_wait3A_464, %dma_wait3A_466, %dma_wait3A_467] : memref<8x50x128xf32, #tpu.memory_space<vmem>> -> memref<1x50x128xf32, #tpu.memory_space<vmem>>
      %dma_wait3A_469 = tpu.memref_squeeze %dma_wait3A_468 : memref<1x50x128xf32, #tpu.memory_space<vmem>> -> memref<50x128xf32, #tpu.memory_space<vmem>>
      %dma_wait3A_470 = arith.constant 0 : i32
      %dma_wait3A_471 = tpu.memref_slice %arg5[%add3A_463, %dma_wait3A_470] : memref<128x50xi32, #tpu.memory_space<vmem>> -> memref<1x50xi32, #tpu.memory_space<vmem>>
      %dma_wait3A_472 = tpu.memref_squeeze %dma_wait3A_471 : memref<1x50xi32, #tpu.memory_space<vmem>> -> memref<50xi32, #tpu.memory_space<vmem>>
      %dma_wait3A_473 = arith.constant 0 : i32
      %dma_wait3A_474 = arith.constant 0 : i32
      %dma_wait3A_475 = tpu.memref_slice %arg3[%dma_wait3A_473, %dma_wait3A_474] : memref<100000x128xf32, #tpu.memory_space<hbm>> -> memref<100000x128xf32, #tpu.memory_space<hbm>>
      %dma_wait3A_476 = tpu.memref_slice %arg7[%dma_wait3A_465] : memref<8x!tpu.dma_semaphore, #tpu.memory_space<semaphore_mem>> -> memref<1x!tpu.dma_semaphore, #tpu.memory_space<semaphore_mem>>
      %dma_wait3A_477 = tpu.memref_squeeze %dma_wait3A_476 : memref<1x!tpu.dma_semaphore, #tpu.memory_space<semaphore_mem>> -> memref<!tpu.dma_semaphore, #tpu.memory_space<semaphore_mem>>
      tpu.wait_indirect_dma semaphore(%dma_wait3A_477 : memref<!tpu.dma_semaphore, #tpu.memory_space<semaphore_mem>>) src(%dma_wait3A_475 : memref<100000x128xf32, #tpu.memory_space<hbm>>) dst(%dma_wait3A_469 : memref<50x128xf32, #tpu.memory_space<vmem>>)
      %add3A_478 = arith.addi %mul3A_2, %add3A_463 : i32
      %dma_start3A_479 = arith.constant 4 : i32
      %dma_start3A_480 = arith.constant 4 : i32
      %dma_start3A_481 = arith.constant 0 : i32
      %dma_start3A_482 = arith.constant 0 : i32
      %dma_start3A_483 = tpu.memref_slice %arg6[%dma_start3A_479, %dma_start3A_481, %dma_start3A_482] : memref<8x50x128xf32, #tpu.memory_space<vmem>> -> memref<1x50x128xf32, #tpu.memory_space<vmem>>
      %dma_start3A_484 = tpu.memref_squeeze %dma_start3A_483 : memref<1x50x128xf32, #tpu.memory_space<vmem>> -> memref<50x128xf32, #tpu.memory_space<vmem>>
      %dma_start3A_485 = arith.constant 0 : i32
      %dma_start3A_486 = arith.constant 0 : i32
      %dma_start3A_487 = tpu.memref_slice %arg4[%add3A_478, %dma_start3A_485, %dma_start3A_486] : memref<4096x50x128xf32, #tpu.memory_space<hbm>> -> memref<1x50x128xf32, #tpu.memory_space<hbm>>
      %dma_start3A_488 = tpu.memref_squeeze %dma_start3A_487 : memref<1x50x128xf32, #tpu.memory_space<hbm>> -> memref<50x128xf32, #tpu.memory_space<hbm>>
      %dma_start3A_489 = tpu.memref_slice %arg8[%dma_start3A_480] : memref<8x!tpu.dma_semaphore, #tpu.memory_space<semaphore_mem>> -> memref<1x!tpu.dma_semaphore, #tpu.memory_space<semaphore_mem>>
      %dma_start3A_490 = tpu.memref_squeeze %dma_start3A_489 : memref<1x!tpu.dma_semaphore, #tpu.memory_space<semaphore_mem>> -> memref<!tpu.dma_semaphore, #tpu.memory_space<semaphore_mem>>
      %dma_start3A_491 = arith.constant 0 : i32
      %dma_start3A_492 = arith.constant 0 : i32
      %dma_start3A_493 = tpu.memref_slice %arg4[%add3A_478, %dma_start3A_491, %dma_start3A_492] : memref<4096x50x128xf32, #tpu.memory_space<hbm>> -> memref<1x50x128xf32, #tpu.memory_space<hbm>>
      %dma_start3A_494 = tpu.memref_squeeze %dma_start3A_493 : memref<1x50x128xf32, #tpu.memory_space<hbm>> -> memref<50x128xf32, #tpu.memory_space<hbm>>
      %dma_start3A_495 = arith.constant 0 : i32
      %dma_start3A_496 = arith.constant 0 : i32
      %dma_start3A_497 = tpu.memref_slice %arg6[%dma_start3A_479, %dma_start3A_495, %dma_start3A_496] : memref<8x50x128xf32, #tpu.memory_space<vmem>> -> memref<1x50x128xf32, #tpu.memory_space<vmem>>
      %dma_start3A_498 = tpu.memref_squeeze %dma_start3A_497 : memref<1x50x128xf32, #tpu.memory_space<vmem>> -> memref<50x128xf32, #tpu.memory_space<vmem>>
      tpu.enqueue_dma source(%dma_start3A_498 : memref<50x128xf32, #tpu.memory_space<vmem>>) target(%dma_start3A_494 : memref<50x128xf32, #tpu.memory_space<hbm>>) target_semaphore(%dma_start3A_490 : memref<!tpu.dma_semaphore, #tpu.memory_space<semaphore_mem>>)
      %add3A_499 = arith.constant 8 : i32
      %add3A_500 = arith.addi %add3A_463, %add3A_499 : i32
      %lt3A_501 = arith.constant 128 : i32
      %lt3A_502 = arith.cmpi slt, %add3A_500, %lt3A_501 : i32
      %convert_element_type3A_503 = arith.extui %lt3A_502 : i1 to i32
      %cond3A_504 = arith.constant 0 : i32
      %cond3A_505 = arith.cmpi ne, %convert_element_type3A_503, %cond3A_504 : i32
      scf.if %cond3A_505 {
        %add3A_638 = arith.addi %mul3A_2, %add3A_463 : i32
        %dma_wait3A_639 = arith.constant 4 : i32
        %dma_wait3A_640 = arith.constant 4 : i32
        %dma_wait3A_641 = arith.constant 0 : i32
        %dma_wait3A_642 = arith.constant 0 : i32
        %dma_wait3A_643 = tpu.memref_slice %arg6[%dma_wait3A_639, %dma_wait3A_641, %dma_wait3A_642] : memref<8x50x128xf32, #tpu.memory_space<vmem>> -> memref<1x50x128xf32, #tpu.memory_space<vmem>>
        %dma_wait3A_644 = tpu.memref_squeeze %dma_wait3A_643 : memref<1x50x128xf32, #tpu.memory_space<vmem>> -> memref<50x128xf32, #tpu.memory_space<vmem>>
        %dma_wait3A_645 = arith.constant 0 : i32
        %dma_wait3A_646 = arith.constant 0 : i32
        %dma_wait3A_647 = tpu.memref_slice %arg4[%add3A_638, %dma_wait3A_645, %dma_wait3A_646] : memref<4096x50x128xf32, #tpu.memory_space<hbm>> -> memref<1x50x128xf32, #tpu.memory_space<hbm>>
        %dma_wait3A_648 = tpu.memref_squeeze %dma_wait3A_647 : memref<1x50x128xf32, #tpu.memory_space<hbm>> -> memref<50x128xf32, #tpu.memory_space<hbm>>
        %dma_wait3A_649 = tpu.memref_slice %arg8[%dma_wait3A_640] : memref<8x!tpu.dma_semaphore, #tpu.memory_space<semaphore_mem>> -> memref<1x!tpu.dma_semaphore, #tpu.memory_space<semaphore_mem>>
        %dma_wait3A_650 = tpu.memref_squeeze %dma_wait3A_649 : memref<1x!tpu.dma_semaphore, #tpu.memory_space<semaphore_mem>> -> memref<!tpu.dma_semaphore, #tpu.memory_space<semaphore_mem>>
        %dma_wait3A_651 = arith.constant 0 : i32
        %dma_wait3A_652 = arith.constant 0 : i32
        %dma_wait3A_653 = tpu.memref_slice %arg4[%add3A_638, %dma_wait3A_651, %dma_wait3A_652] : memref<4096x50x128xf32, #tpu.memory_space<hbm>> -> memref<1x50x128xf32, #tpu.memory_space<hbm>>
        %dma_wait3A_654 = tpu.memref_squeeze %dma_wait3A_653 : memref<1x50x128xf32, #tpu.memory_space<hbm>> -> memref<50x128xf32, #tpu.memory_space<hbm>>
        %dma_wait3A_655 = arith.constant 0 : i32
        %dma_wait3A_656 = arith.constant 0 : i32
        %dma_wait3A_657 = tpu.memref_slice %arg6[%dma_wait3A_639, %dma_wait3A_655, %dma_wait3A_656] : memref<8x50x128xf32, #tpu.memory_space<vmem>> -> memref<1x50x128xf32, #tpu.memory_space<vmem>>
        %dma_wait3A_658 = tpu.memref_squeeze %dma_wait3A_657 : memref<1x50x128xf32, #tpu.memory_space<vmem>> -> memref<50x128xf32, #tpu.memory_space<vmem>>
        tpu.wait_dma2 semaphore(%dma_wait3A_650 : memref<!tpu.dma_semaphore, #tpu.memory_space<semaphore_mem>>) src(%dma_wait3A_658 : memref<50x128xf32, #tpu.memory_space<vmem>>) dst(%dma_wait3A_654 : memref<50x128xf32, #tpu.memory_space<hbm>>)
        %add3A_659 = arith.constant 8 : i32
        %add3A_660 = arith.addi %add3A_463, %add3A_659 : i32
        %dma_start3A_661 = arith.constant 4 : i32
        %dma_start3A_662 = arith.constant 4 : i32
        %dma_start3A_663 = arith.constant 0 : i32
        %dma_start3A_664 = arith.constant 0 : i32
        %dma_start3A_665 = tpu.memref_slice %arg6[%dma_start3A_661, %dma_start3A_663, %dma_start3A_664] : memref<8x50x128xf32, #tpu.memory_space<vmem>> -> memref<1x50x128xf32, #tpu.memory_space<vmem>>
        %dma_start3A_666 = tpu.memref_squeeze %dma_start3A_665 : memref<1x50x128xf32, #tpu.memory_space<vmem>> -> memref<50x128xf32, #tpu.memory_space<vmem>>
        %dma_start3A_667 = arith.constant 0 : i32
        %dma_start3A_668 = tpu.memref_slice %arg5[%add3A_660, %dma_start3A_667] : memref<128x50xi32, #tpu.memory_space<vmem>> -> memref<1x50xi32, #tpu.memory_space<vmem>>
        %dma_start3A_669 = tpu.memref_squeeze %dma_start3A_668 : memref<1x50xi32, #tpu.memory_space<vmem>> -> memref<50xi32, #tpu.memory_space<vmem>>
        %dma_start3A_670 = arith.constant 0 : i32
        %dma_start3A_671 = arith.constant 0 : i32
        %dma_start3A_672 = tpu.memref_slice %arg3[%dma_start3A_670, %dma_start3A_671] : memref<100000x128xf32, #tpu.memory_space<hbm>> -> memref<100000x128xf32, #tpu.memory_space<hbm>>
        %dma_start3A_673 = tpu.memref_slice %arg7[%dma_start3A_662] : memref<8x!tpu.dma_semaphore, #tpu.memory_space<semaphore_mem>> -> memref<1x!tpu.dma_semaphore, #tpu.memory_space<semaphore_mem>>
        %dma_start3A_674 = tpu.memref_squeeze %dma_start3A_673 : memref<1x!tpu.dma_semaphore, #tpu.memory_space<semaphore_mem>> -> memref<!tpu.dma_semaphore, #tpu.memory_space<semaphore_mem>>
        tpu.enqueue_indirect_dma source(%dma_start3A_672 : memref<100000x128xf32, #tpu.memory_space<hbm>>) target(%dma_start3A_666 : memref<50x128xf32, #tpu.memory_space<vmem>>) offsets(%dma_start3A_669 : memref<50xi32, #tpu.memory_space<vmem>>) semaphore(%dma_start3A_674 : memref<!tpu.dma_semaphore, #tpu.memory_space<semaphore_mem>>)
      } else {
      }
      %add3A_506 = arith.constant 5 : i32
      %add3A_507 = arith.addi %mul3A_288, %add3A_506 : i32
      %dma_wait3A_508 = arith.constant 5 : i32
      %dma_wait3A_509 = arith.constant 5 : i32
      %dma_wait3A_510 = arith.constant 0 : i32
      %dma_wait3A_511 = arith.constant 0 : i32
      %dma_wait3A_512 = tpu.memref_slice %arg6[%dma_wait3A_508, %dma_wait3A_510, %dma_wait3A_511] : memref<8x50x128xf32, #tpu.memory_space<vmem>> -> memref<1x50x128xf32, #tpu.memory_space<vmem>>
      %dma_wait3A_513 = tpu.memref_squeeze %dma_wait3A_512 : memref<1x50x128xf32, #tpu.memory_space<vmem>> -> memref<50x128xf32, #tpu.memory_space<vmem>>
      %dma_wait3A_514 = arith.constant 0 : i32
      %dma_wait3A_515 = tpu.memref_slice %arg5[%add3A_507, %dma_wait3A_514] : memref<128x50xi32, #tpu.memory_space<vmem>> -> memref<1x50xi32, #tpu.memory_space<vmem>>
      %dma_wait3A_516 = tpu.memref_squeeze %dma_wait3A_515 : memref<1x50xi32, #tpu.memory_space<vmem>> -> memref<50xi32, #tpu.memory_space<vmem>>
      %dma_wait3A_517 = arith.constant 0 : i32
      %dma_wait3A_518 = arith.constant 0 : i32
      %dma_wait3A_519 = tpu.memref_slice %arg3[%dma_wait3A_517, %dma_wait3A_518] : memref<100000x128xf32, #tpu.memory_space<hbm>> -> memref<100000x128xf32, #tpu.memory_space<hbm>>
      %dma_wait3A_520 = tpu.memref_slice %arg7[%dma_wait3A_509] : memref<8x!tpu.dma_semaphore, #tpu.memory_space<semaphore_mem>> -> memref<1x!tpu.dma_semaphore, #tpu.memory_space<semaphore_mem>>
      %dma_wait3A_521 = tpu.memref_squeeze %dma_wait3A_520 : memref<1x!tpu.dma_semaphore, #tpu.memory_space<semaphore_mem>> -> memref<!tpu.dma_semaphore, #tpu.memory_space<semaphore_mem>>
      tpu.wait_indirect_dma semaphore(%dma_wait3A_521 : memref<!tpu.dma_semaphore, #tpu.memory_space<semaphore_mem>>) src(%dma_wait3A_519 : memref<100000x128xf32, #tpu.memory_space<hbm>>) dst(%dma_wait3A_513 : memref<50x128xf32, #tpu.memory_space<vmem>>)
      %add3A_522 = arith.addi %mul3A_2, %add3A_507 : i32
      %dma_start3A_523 = arith.constant 5 : i32
      %dma_start3A_524 = arith.constant 5 : i32
      %dma_start3A_525 = arith.constant 0 : i32
      %dma_start3A_526 = arith.constant 0 : i32
      %dma_start3A_527 = tpu.memref_slice %arg6[%dma_start3A_523, %dma_start3A_525, %dma_start3A_526] : memref<8x50x128xf32, #tpu.memory_space<vmem>> -> memref<1x50x128xf32, #tpu.memory_space<vmem>>
      %dma_start3A_528 = tpu.memref_squeeze %dma_start3A_527 : memref<1x50x128xf32, #tpu.memory_space<vmem>> -> memref<50x128xf32, #tpu.memory_space<vmem>>
      %dma_start3A_529 = arith.constant 0 : i32
      %dma_start3A_530 = arith.constant 0 : i32
      %dma_start3A_531 = tpu.memref_slice %arg4[%add3A_522, %dma_start3A_529, %dma_start3A_530] : memref<4096x50x128xf32, #tpu.memory_space<hbm>> -> memref<1x50x128xf32, #tpu.memory_space<hbm>>
      %dma_start3A_532 = tpu.memref_squeeze %dma_start3A_531 : memref<1x50x128xf32, #tpu.memory_space<hbm>> -> memref<50x128xf32, #tpu.memory_space<hbm>>
      %dma_start3A_533 = tpu.memref_slice %arg8[%dma_start3A_524] : memref<8x!tpu.dma_semaphore, #tpu.memory_space<semaphore_mem>> -> memref<1x!tpu.dma_semaphore, #tpu.memory_space<semaphore_mem>>
      %dma_start3A_534 = tpu.memref_squeeze %dma_start3A_533 : memref<1x!tpu.dma_semaphore, #tpu.memory_space<semaphore_mem>> -> memref<!tpu.dma_semaphore, #tpu.memory_space<semaphore_mem>>
      %dma_start3A_535 = arith.constant 0 : i32
      %dma_start3A_536 = arith.constant 0 : i32
      %dma_start3A_537 = tpu.memref_slice %arg4[%add3A_522, %dma_start3A_535, %dma_start3A_536] : memref<4096x50x128xf32, #tpu.memory_space<hbm>> -> memref<1x50x128xf32, #tpu.memory_space<hbm>>
      %dma_start3A_538 = tpu.memref_squeeze %dma_start3A_537 : memref<1x50x128xf32, #tpu.memory_space<hbm>> -> memref<50x128xf32, #tpu.memory_space<hbm>>
      %dma_start3A_539 = arith.constant 0 : i32
      %dma_start3A_540 = arith.constant 0 : i32
      %dma_start3A_541 = tpu.memref_slice %arg6[%dma_start3A_523, %dma_start3A_539, %dma_start3A_540] : memref<8x50x128xf32, #tpu.memory_space<vmem>> -> memref<1x50x128xf32, #tpu.memory_space<vmem>>
      %dma_start3A_542 = tpu.memref_squeeze %dma_start3A_541 : memref<1x50x128xf32, #tpu.memory_space<vmem>> -> memref<50x128xf32, #tpu.memory_space<vmem>>
      tpu.enqueue_dma source(%dma_start3A_542 : memref<50x128xf32, #tpu.memory_space<vmem>>) target(%dma_start3A_538 : memref<50x128xf32, #tpu.memory_space<hbm>>) target_semaphore(%dma_start3A_534 : memref<!tpu.dma_semaphore, #tpu.memory_space<semaphore_mem>>)
      %add3A_543 = arith.constant 8 : i32
      %add3A_544 = arith.addi %add3A_507, %add3A_543 : i32
      %lt3A_545 = arith.constant 128 : i32
      %lt3A_546 = arith.cmpi slt, %add3A_544, %lt3A_545 : i32
      %convert_element_type3A_547 = arith.extui %lt3A_546 : i1 to i32
      %cond3A_548 = arith.constant 0 : i32
      %cond3A_549 = arith.cmpi ne, %convert_element_type3A_547, %cond3A_548 : i32
      scf.if %cond3A_549 {
        %add3A_638 = arith.addi %mul3A_2, %add3A_507 : i32
        %dma_wait3A_639 = arith.constant 5 : i32
        %dma_wait3A_640 = arith.constant 5 : i32
        %dma_wait3A_641 = arith.constant 0 : i32
        %dma_wait3A_642 = arith.constant 0 : i32
        %dma_wait3A_643 = tpu.memref_slice %arg6[%dma_wait3A_639, %dma_wait3A_641, %dma_wait3A_642] : memref<8x50x128xf32, #tpu.memory_space<vmem>> -> memref<1x50x128xf32, #tpu.memory_space<vmem>>
        %dma_wait3A_644 = tpu.memref_squeeze %dma_wait3A_643 : memref<1x50x128xf32, #tpu.memory_space<vmem>> -> memref<50x128xf32, #tpu.memory_space<vmem>>
        %dma_wait3A_645 = arith.constant 0 : i32
        %dma_wait3A_646 = arith.constant 0 : i32
        %dma_wait3A_647 = tpu.memref_slice %arg4[%add3A_638, %dma_wait3A_645, %dma_wait3A_646] : memref<4096x50x128xf32, #tpu.memory_space<hbm>> -> memref<1x50x128xf32, #tpu.memory_space<hbm>>
        %dma_wait3A_648 = tpu.memref_squeeze %dma_wait3A_647 : memref<1x50x128xf32, #tpu.memory_space<hbm>> -> memref<50x128xf32, #tpu.memory_space<hbm>>
        %dma_wait3A_649 = tpu.memref_slice %arg8[%dma_wait3A_640] : memref<8x!tpu.dma_semaphore, #tpu.memory_space<semaphore_mem>> -> memref<1x!tpu.dma_semaphore, #tpu.memory_space<semaphore_mem>>
        %dma_wait3A_650 = tpu.memref_squeeze %dma_wait3A_649 : memref<1x!tpu.dma_semaphore, #tpu.memory_space<semaphore_mem>> -> memref<!tpu.dma_semaphore, #tpu.memory_space<semaphore_mem>>
        %dma_wait3A_651 = arith.constant 0 : i32
        %dma_wait3A_652 = arith.constant 0 : i32
        %dma_wait3A_653 = tpu.memref_slice %arg4[%add3A_638, %dma_wait3A_651, %dma_wait3A_652] : memref<4096x50x128xf32, #tpu.memory_space<hbm>> -> memref<1x50x128xf32, #tpu.memory_space<hbm>>
        %dma_wait3A_654 = tpu.memref_squeeze %dma_wait3A_653 : memref<1x50x128xf32, #tpu.memory_space<hbm>> -> memref<50x128xf32, #tpu.memory_space<hbm>>
        %dma_wait3A_655 = arith.constant 0 : i32
        %dma_wait3A_656 = arith.constant 0 : i32
        %dma_wait3A_657 = tpu.memref_slice %arg6[%dma_wait3A_639, %dma_wait3A_655, %dma_wait3A_656] : memref<8x50x128xf32, #tpu.memory_space<vmem>> -> memref<1x50x128xf32, #tpu.memory_space<vmem>>
        %dma_wait3A_658 = tpu.memref_squeeze %dma_wait3A_657 : memref<1x50x128xf32, #tpu.memory_space<vmem>> -> memref<50x128xf32, #tpu.memory_space<vmem>>
        tpu.wait_dma2 semaphore(%dma_wait3A_650 : memref<!tpu.dma_semaphore, #tpu.memory_space<semaphore_mem>>) src(%dma_wait3A_658 : memref<50x128xf32, #tpu.memory_space<vmem>>) dst(%dma_wait3A_654 : memref<50x128xf32, #tpu.memory_space<hbm>>)
        %add3A_659 = arith.constant 8 : i32
        %add3A_660 = arith.addi %add3A_507, %add3A_659 : i32
        %dma_start3A_661 = arith.constant 5 : i32
        %dma_start3A_662 = arith.constant 5 : i32
        %dma_start3A_663 = arith.constant 0 : i32
        %dma_start3A_664 = arith.constant 0 : i32
        %dma_start3A_665 = tpu.memref_slice %arg6[%dma_start3A_661, %dma_start3A_663, %dma_start3A_664] : memref<8x50x128xf32, #tpu.memory_space<vmem>> -> memref<1x50x128xf32, #tpu.memory_space<vmem>>
        %dma_start3A_666 = tpu.memref_squeeze %dma_start3A_665 : memref<1x50x128xf32, #tpu.memory_space<vmem>> -> memref<50x128xf32, #tpu.memory_space<vmem>>
        %dma_start3A_667 = arith.constant 0 : i32
        %dma_start3A_668 = tpu.memref_slice %arg5[%add3A_660, %dma_start3A_667] : memref<128x50xi32, #tpu.memory_space<vmem>> -> memref<1x50xi32, #tpu.memory_space<vmem>>
        %dma_start3A_669 = tpu.memref_squeeze %dma_start3A_668 : memref<1x50xi32, #tpu.memory_space<vmem>> -> memref<50xi32, #tpu.memory_space<vmem>>
        %dma_start3A_670 = arith.constant 0 : i32
        %dma_start3A_671 = arith.constant 0 : i32
        %dma_start3A_672 = tpu.memref_slice %arg3[%dma_start3A_670, %dma_start3A_671] : memref<100000x128xf32, #tpu.memory_space<hbm>> -> memref<100000x128xf32, #tpu.memory_space<hbm>>
        %dma_start3A_673 = tpu.memref_slice %arg7[%dma_start3A_662] : memref<8x!tpu.dma_semaphore, #tpu.memory_space<semaphore_mem>> -> memref<1x!tpu.dma_semaphore, #tpu.memory_space<semaphore_mem>>
        %dma_start3A_674 = tpu.memref_squeeze %dma_start3A_673 : memref<1x!tpu.dma_semaphore, #tpu.memory_space<semaphore_mem>> -> memref<!tpu.dma_semaphore, #tpu.memory_space<semaphore_mem>>
        tpu.enqueue_indirect_dma source(%dma_start3A_672 : memref<100000x128xf32, #tpu.memory_space<hbm>>) target(%dma_start3A_666 : memref<50x128xf32, #tpu.memory_space<vmem>>) offsets(%dma_start3A_669 : memref<50xi32, #tpu.memory_space<vmem>>) semaphore(%dma_start3A_674 : memref<!tpu.dma_semaphore, #tpu.memory_space<semaphore_mem>>)
      } else {
      }
      %add3A_550 = arith.constant 6 : i32
      %add3A_551 = arith.addi %mul3A_288, %add3A_550 : i32
      %dma_wait3A_552 = arith.constant 6 : i32
      %dma_wait3A_553 = arith.constant 6 : i32
      %dma_wait3A_554 = arith.constant 0 : i32
      %dma_wait3A_555 = arith.constant 0 : i32
      %dma_wait3A_556 = tpu.memref_slice %arg6[%dma_wait3A_552, %dma_wait3A_554, %dma_wait3A_555] : memref<8x50x128xf32, #tpu.memory_space<vmem>> -> memref<1x50x128xf32, #tpu.memory_space<vmem>>
      %dma_wait3A_557 = tpu.memref_squeeze %dma_wait3A_556 : memref<1x50x128xf32, #tpu.memory_space<vmem>> -> memref<50x128xf32, #tpu.memory_space<vmem>>
      %dma_wait3A_558 = arith.constant 0 : i32
      %dma_wait3A_559 = tpu.memref_slice %arg5[%add3A_551, %dma_wait3A_558] : memref<128x50xi32, #tpu.memory_space<vmem>> -> memref<1x50xi32, #tpu.memory_space<vmem>>
      %dma_wait3A_560 = tpu.memref_squeeze %dma_wait3A_559 : memref<1x50xi32, #tpu.memory_space<vmem>> -> memref<50xi32, #tpu.memory_space<vmem>>
      %dma_wait3A_561 = arith.constant 0 : i32
      %dma_wait3A_562 = arith.constant 0 : i32
      %dma_wait3A_563 = tpu.memref_slice %arg3[%dma_wait3A_561, %dma_wait3A_562] : memref<100000x128xf32, #tpu.memory_space<hbm>> -> memref<100000x128xf32, #tpu.memory_space<hbm>>
      %dma_wait3A_564 = tpu.memref_slice %arg7[%dma_wait3A_553] : memref<8x!tpu.dma_semaphore, #tpu.memory_space<semaphore_mem>> -> memref<1x!tpu.dma_semaphore, #tpu.memory_space<semaphore_mem>>
      %dma_wait3A_565 = tpu.memref_squeeze %dma_wait3A_564 : memref<1x!tpu.dma_semaphore, #tpu.memory_space<semaphore_mem>> -> memref<!tpu.dma_semaphore, #tpu.memory_space<semaphore_mem>>
      tpu.wait_indirect_dma semaphore(%dma_wait3A_565 : memref<!tpu.dma_semaphore, #tpu.memory_space<semaphore_mem>>) src(%dma_wait3A_563 : memref<100000x128xf32, #tpu.memory_space<hbm>>) dst(%dma_wait3A_557 : memref<50x128xf32, #tpu.memory_space<vmem>>)
      %add3A_566 = arith.addi %mul3A_2, %add3A_551 : i32
      %dma_start3A_567 = arith.constant 6 : i32
      %dma_start3A_568 = arith.constant 6 : i32
      %dma_start3A_569 = arith.constant 0 : i32
      %dma_start3A_570 = arith.constant 0 : i32
      %dma_start3A_571 = tpu.memref_slice %arg6[%dma_start3A_567, %dma_start3A_569, %dma_start3A_570] : memref<8x50x128xf32, #tpu.memory_space<vmem>> -> memref<1x50x128xf32, #tpu.memory_space<vmem>>
      %dma_start3A_572 = tpu.memref_squeeze %dma_start3A_571 : memref<1x50x128xf32, #tpu.memory_space<vmem>> -> memref<50x128xf32, #tpu.memory_space<vmem>>
      %dma_start3A_573 = arith.constant 0 : i32
      %dma_start3A_574 = arith.constant 0 : i32
      %dma_start3A_575 = tpu.memref_slice %arg4[%add3A_566, %dma_start3A_573, %dma_start3A_574] : memref<4096x50x128xf32, #tpu.memory_space<hbm>> -> memref<1x50x128xf32, #tpu.memory_space<hbm>>
      %dma_start3A_576 = tpu.memref_squeeze %dma_start3A_575 : memref<1x50x128xf32, #tpu.memory_space<hbm>> -> memref<50x128xf32, #tpu.memory_space<hbm>>
      %dma_start3A_577 = tpu.memref_slice %arg8[%dma_start3A_568] : memref<8x!tpu.dma_semaphore, #tpu.memory_space<semaphore_mem>> -> memref<1x!tpu.dma_semaphore, #tpu.memory_space<semaphore_mem>>
      %dma_start3A_578 = tpu.memref_squeeze %dma_start3A_577 : memref<1x!tpu.dma_semaphore, #tpu.memory_space<semaphore_mem>> -> memref<!tpu.dma_semaphore, #tpu.memory_space<semaphore_mem>>
      %dma_start3A_579 = arith.constant 0 : i32
      %dma_start3A_580 = arith.constant 0 : i32
      %dma_start3A_581 = tpu.memref_slice %arg4[%add3A_566, %dma_start3A_579, %dma_start3A_580] : memref<4096x50x128xf32, #tpu.memory_space<hbm>> -> memref<1x50x128xf32, #tpu.memory_space<hbm>>
      %dma_start3A_582 = tpu.memref_squeeze %dma_start3A_581 : memref<1x50x128xf32, #tpu.memory_space<hbm>> -> memref<50x128xf32, #tpu.memory_space<hbm>>
      %dma_start3A_583 = arith.constant 0 : i32
      %dma_start3A_584 = arith.constant 0 : i32
      %dma_start3A_585 = tpu.memref_slice %arg6[%dma_start3A_567, %dma_start3A_583, %dma_start3A_584] : memref<8x50x128xf32, #tpu.memory_space<vmem>> -> memref<1x50x128xf32, #tpu.memory_space<vmem>>
      %dma_start3A_586 = tpu.memref_squeeze %dma_start3A_585 : memref<1x50x128xf32, #tpu.memory_space<vmem>> -> memref<50x128xf32, #tpu.memory_space<vmem>>
      tpu.enqueue_dma source(%dma_start3A_586 : memref<50x128xf32, #tpu.memory_space<vmem>>) target(%dma_start3A_582 : memref<50x128xf32, #tpu.memory_space<hbm>>) target_semaphore(%dma_start3A_578 : memref<!tpu.dma_semaphore, #tpu.memory_space<semaphore_mem>>)
      %add3A_587 = arith.constant 8 : i32
      %add3A_588 = arith.addi %add3A_551, %add3A_587 : i32
      %lt3A_589 = arith.constant 128 : i32
      %lt3A_590 = arith.cmpi slt, %add3A_588, %lt3A_589 : i32
      %convert_element_type3A_591 = arith.extui %lt3A_590 : i1 to i32
      %cond3A_592 = arith.constant 0 : i32
      %cond3A_593 = arith.cmpi ne, %convert_element_type3A_591, %cond3A_592 : i32
      scf.if %cond3A_593 {
        %add3A_638 = arith.addi %mul3A_2, %add3A_551 : i32
        %dma_wait3A_639 = arith.constant 6 : i32
        %dma_wait3A_640 = arith.constant 6 : i32
        %dma_wait3A_641 = arith.constant 0 : i32
        %dma_wait3A_642 = arith.constant 0 : i32
        %dma_wait3A_643 = tpu.memref_slice %arg6[%dma_wait3A_639, %dma_wait3A_641, %dma_wait3A_642] : memref<8x50x128xf32, #tpu.memory_space<vmem>> -> memref<1x50x128xf32, #tpu.memory_space<vmem>>
        %dma_wait3A_644 = tpu.memref_squeeze %dma_wait3A_643 : memref<1x50x128xf32, #tpu.memory_space<vmem>> -> memref<50x128xf32, #tpu.memory_space<vmem>>
        %dma_wait3A_645 = arith.constant 0 : i32
        %dma_wait3A_646 = arith.constant 0 : i32
        %dma_wait3A_647 = tpu.memref_slice %arg4[%add3A_638, %dma_wait3A_645, %dma_wait3A_646] : memref<4096x50x128xf32, #tpu.memory_space<hbm>> -> memref<1x50x128xf32, #tpu.memory_space<hbm>>
        %dma_wait3A_648 = tpu.memref_squeeze %dma_wait3A_647 : memref<1x50x128xf32, #tpu.memory_space<hbm>> -> memref<50x128xf32, #tpu.memory_space<hbm>>
        %dma_wait3A_649 = tpu.memref_slice %arg8[%dma_wait3A_640] : memref<8x!tpu.dma_semaphore, #tpu.memory_space<semaphore_mem>> -> memref<1x!tpu.dma_semaphore, #tpu.memory_space<semaphore_mem>>
        %dma_wait3A_650 = tpu.memref_squeeze %dma_wait3A_649 : memref<1x!tpu.dma_semaphore, #tpu.memory_space<semaphore_mem>> -> memref<!tpu.dma_semaphore, #tpu.memory_space<semaphore_mem>>
        %dma_wait3A_651 = arith.constant 0 : i32
        %dma_wait3A_652 = arith.constant 0 : i32
        %dma_wait3A_653 = tpu.memref_slice %arg4[%add3A_638, %dma_wait3A_651, %dma_wait3A_652] : memref<4096x50x128xf32, #tpu.memory_space<hbm>> -> memref<1x50x128xf32, #tpu.memory_space<hbm>>
        %dma_wait3A_654 = tpu.memref_squeeze %dma_wait3A_653 : memref<1x50x128xf32, #tpu.memory_space<hbm>> -> memref<50x128xf32, #tpu.memory_space<hbm>>
        %dma_wait3A_655 = arith.constant 0 : i32
        %dma_wait3A_656 = arith.constant 0 : i32
        %dma_wait3A_657 = tpu.memref_slice %arg6[%dma_wait3A_639, %dma_wait3A_655, %dma_wait3A_656] : memref<8x50x128xf32, #tpu.memory_space<vmem>> -> memref<1x50x128xf32, #tpu.memory_space<vmem>>
        %dma_wait3A_658 = tpu.memref_squeeze %dma_wait3A_657 : memref<1x50x128xf32, #tpu.memory_space<vmem>> -> memref<50x128xf32, #tpu.memory_space<vmem>>
        tpu.wait_dma2 semaphore(%dma_wait3A_650 : memref<!tpu.dma_semaphore, #tpu.memory_space<semaphore_mem>>) src(%dma_wait3A_658 : memref<50x128xf32, #tpu.memory_space<vmem>>) dst(%dma_wait3A_654 : memref<50x128xf32, #tpu.memory_space<hbm>>)
        %add3A_659 = arith.constant 8 : i32
        %add3A_660 = arith.addi %add3A_551, %add3A_659 : i32
        %dma_start3A_661 = arith.constant 6 : i32
        %dma_start3A_662 = arith.constant 6 : i32
        %dma_start3A_663 = arith.constant 0 : i32
        %dma_start3A_664 = arith.constant 0 : i32
        %dma_start3A_665 = tpu.memref_slice %arg6[%dma_start3A_661, %dma_start3A_663, %dma_start3A_664] : memref<8x50x128xf32, #tpu.memory_space<vmem>> -> memref<1x50x128xf32, #tpu.memory_space<vmem>>
        %dma_start3A_666 = tpu.memref_squeeze %dma_start3A_665 : memref<1x50x128xf32, #tpu.memory_space<vmem>> -> memref<50x128xf32, #tpu.memory_space<vmem>>
        %dma_start3A_667 = arith.constant 0 : i32
        %dma_start3A_668 = tpu.memref_slice %arg5[%add3A_660, %dma_start3A_667] : memref<128x50xi32, #tpu.memory_space<vmem>> -> memref<1x50xi32, #tpu.memory_space<vmem>>
        %dma_start3A_669 = tpu.memref_squeeze %dma_start3A_668 : memref<1x50xi32, #tpu.memory_space<vmem>> -> memref<50xi32, #tpu.memory_space<vmem>>
        %dma_start3A_670 = arith.constant 0 : i32
        %dma_start3A_671 = arith.constant 0 : i32
        %dma_start3A_672 = tpu.memref_slice %arg3[%dma_start3A_670, %dma_start3A_671] : memref<100000x128xf32, #tpu.memory_space<hbm>> -> memref<100000x128xf32, #tpu.memory_space<hbm>>
        %dma_start3A_673 = tpu.memref_slice %arg7[%dma_start3A_662] : memref<8x!tpu.dma_semaphore, #tpu.memory_space<semaphore_mem>> -> memref<1x!tpu.dma_semaphore, #tpu.memory_space<semaphore_mem>>
        %dma_start3A_674 = tpu.memref_squeeze %dma_start3A_673 : memref<1x!tpu.dma_semaphore, #tpu.memory_space<semaphore_mem>> -> memref<!tpu.dma_semaphore, #tpu.memory_space<semaphore_mem>>
        tpu.enqueue_indirect_dma source(%dma_start3A_672 : memref<100000x128xf32, #tpu.memory_space<hbm>>) target(%dma_start3A_666 : memref<50x128xf32, #tpu.memory_space<vmem>>) offsets(%dma_start3A_669 : memref<50xi32, #tpu.memory_space<vmem>>) semaphore(%dma_start3A_674 : memref<!tpu.dma_semaphore, #tpu.memory_space<semaphore_mem>>)
      } else {
      }
      %add3A_594 = arith.constant 7 : i32
      %add3A_595 = arith.addi %mul3A_288, %add3A_594 : i32
      %dma_wait3A_596 = arith.constant 7 : i32
      %dma_wait3A_597 = arith.constant 7 : i32
      %dma_wait3A_598 = arith.constant 0 : i32
      %dma_wait3A_599 = arith.constant 0 : i32
      %dma_wait3A_600 = tpu.memref_slice %arg6[%dma_wait3A_596, %dma_wait3A_598, %dma_wait3A_599] : memref<8x50x128xf32, #tpu.memory_space<vmem>> -> memref<1x50x128xf32, #tpu.memory_space<vmem>>
      %dma_wait3A_601 = tpu.memref_squeeze %dma_wait3A_600 : memref<1x50x128xf32, #tpu.memory_space<vmem>> -> memref<50x128xf32, #tpu.memory_space<vmem>>
      %dma_wait3A_602 = arith.constant 0 : i32
      %dma_wait3A_603 = tpu.memref_slice %arg5[%add3A_595, %dma_wait3A_602] : memref<128x50xi32, #tpu.memory_space<vmem>> -> memref<1x50xi32, #tpu.memory_space<vmem>>
      %dma_wait3A_604 = tpu.memref_squeeze %dma_wait3A_603 : memref<1x50xi32, #tpu.memory_space<vmem>> -> memref<50xi32, #tpu.memory_space<vmem>>
      %dma_wait3A_605 = arith.constant 0 : i32
      %dma_wait3A_606 = arith.constant 0 : i32
      %dma_wait3A_607 = tpu.memref_slice %arg3[%dma_wait3A_605, %dma_wait3A_606] : memref<100000x128xf32, #tpu.memory_space<hbm>> -> memref<100000x128xf32, #tpu.memory_space<hbm>>
      %dma_wait3A_608 = tpu.memref_slice %arg7[%dma_wait3A_597] : memref<8x!tpu.dma_semaphore, #tpu.memory_space<semaphore_mem>> -> memref<1x!tpu.dma_semaphore, #tpu.memory_space<semaphore_mem>>
      %dma_wait3A_609 = tpu.memref_squeeze %dma_wait3A_608 : memref<1x!tpu.dma_semaphore, #tpu.memory_space<semaphore_mem>> -> memref<!tpu.dma_semaphore, #tpu.memory_space<semaphore_mem>>
      tpu.wait_indirect_dma semaphore(%dma_wait3A_609 : memref<!tpu.dma_semaphore, #tpu.memory_space<semaphore_mem>>) src(%dma_wait3A_607 : memref<100000x128xf32, #tpu.memory_space<hbm>>) dst(%dma_wait3A_601 : memref<50x128xf32, #tpu.memory_space<vmem>>)
      %add3A_610 = arith.addi %mul3A_2, %add3A_595 : i32
      %dma_start3A_611 = arith.constant 7 : i32
      %dma_start3A_612 = arith.constant 7 : i32
      %dma_start3A_613 = arith.constant 0 : i32
      %dma_start3A_614 = arith.constant 0 : i32
      %dma_start3A_615 = tpu.memref_slice %arg6[%dma_start3A_611, %dma_start3A_613, %dma_start3A_614] : memref<8x50x128xf32, #tpu.memory_space<vmem>> -> memref<1x50x128xf32, #tpu.memory_space<vmem>>
      %dma_start3A_616 = tpu.memref_squeeze %dma_start3A_615 : memref<1x50x128xf32, #tpu.memory_space<vmem>> -> memref<50x128xf32, #tpu.memory_space<vmem>>
      %dma_start3A_617 = arith.constant 0 : i32
      %dma_start3A_618 = arith.constant 0 : i32
      %dma_start3A_619 = tpu.memref_slice %arg4[%add3A_610, %dma_start3A_617, %dma_start3A_618] : memref<4096x50x128xf32, #tpu.memory_space<hbm>> -> memref<1x50x128xf32, #tpu.memory_space<hbm>>
      %dma_start3A_620 = tpu.memref_squeeze %dma_start3A_619 : memref<1x50x128xf32, #tpu.memory_space<hbm>> -> memref<50x128xf32, #tpu.memory_space<hbm>>
      %dma_start3A_621 = tpu.memref_slice %arg8[%dma_start3A_612] : memref<8x!tpu.dma_semaphore, #tpu.memory_space<semaphore_mem>> -> memref<1x!tpu.dma_semaphore, #tpu.memory_space<semaphore_mem>>
      %dma_start3A_622 = tpu.memref_squeeze %dma_start3A_621 : memref<1x!tpu.dma_semaphore, #tpu.memory_space<semaphore_mem>> -> memref<!tpu.dma_semaphore, #tpu.memory_space<semaphore_mem>>
      %dma_start3A_623 = arith.constant 0 : i32
      %dma_start3A_624 = arith.constant 0 : i32
      %dma_start3A_625 = tpu.memref_slice %arg4[%add3A_610, %dma_start3A_623, %dma_start3A_624] : memref<4096x50x128xf32, #tpu.memory_space<hbm>> -> memref<1x50x128xf32, #tpu.memory_space<hbm>>
      %dma_start3A_626 = tpu.memref_squeeze %dma_start3A_625 : memref<1x50x128xf32, #tpu.memory_space<hbm>> -> memref<50x128xf32, #tpu.memory_space<hbm>>
      %dma_start3A_627 = arith.constant 0 : i32
      %dma_start3A_628 = arith.constant 0 : i32
      %dma_start3A_629 = tpu.memref_slice %arg6[%dma_start3A_611, %dma_start3A_627, %dma_start3A_628] : memref<8x50x128xf32, #tpu.memory_space<vmem>> -> memref<1x50x128xf32, #tpu.memory_space<vmem>>
      %dma_start3A_630 = tpu.memref_squeeze %dma_start3A_629 : memref<1x50x128xf32, #tpu.memory_space<vmem>> -> memref<50x128xf32, #tpu.memory_space<vmem>>
      tpu.enqueue_dma source(%dma_start3A_630 : memref<50x128xf32, #tpu.memory_space<vmem>>) target(%dma_start3A_626 : memref<50x128xf32, #tpu.memory_space<hbm>>) target_semaphore(%dma_start3A_622 : memref<!tpu.dma_semaphore, #tpu.memory_space<semaphore_mem>>)
      %add3A_631 = arith.constant 8 : i32
      %add3A_632 = arith.addi %add3A_595, %add3A_631 : i32
      %lt3A_633 = arith.constant 128 : i32
      %lt3A_634 = arith.cmpi slt, %add3A_632, %lt3A_633 : i32
      %convert_element_type3A_635 = arith.extui %lt3A_634 : i1 to i32
      %cond3A_636 = arith.constant 0 : i32
      %cond3A_637 = arith.cmpi ne, %convert_element_type3A_635, %cond3A_636 : i32
      scf.if %cond3A_637 {
        %add3A_638 = arith.addi %mul3A_2, %add3A_595 : i32
        %dma_wait3A_639 = arith.constant 7 : i32
        %dma_wait3A_640 = arith.constant 7 : i32
        %dma_wait3A_641 = arith.constant 0 : i32
        %dma_wait3A_642 = arith.constant 0 : i32
        %dma_wait3A_643 = tpu.memref_slice %arg6[%dma_wait3A_639, %dma_wait3A_641, %dma_wait3A_642] : memref<8x50x128xf32, #tpu.memory_space<vmem>> -> memref<1x50x128xf32, #tpu.memory_space<vmem>>
        %dma_wait3A_644 = tpu.memref_squeeze %dma_wait3A_643 : memref<1x50x128xf32, #tpu.memory_space<vmem>> -> memref<50x128xf32, #tpu.memory_space<vmem>>
        %dma_wait3A_645 = arith.constant 0 : i32
        %dma_wait3A_646 = arith.constant 0 : i32
        %dma_wait3A_647 = tpu.memref_slice %arg4[%add3A_638, %dma_wait3A_645, %dma_wait3A_646] : memref<4096x50x128xf32, #tpu.memory_space<hbm>> -> memref<1x50x128xf32, #tpu.memory_space<hbm>>
        %dma_wait3A_648 = tpu.memref_squeeze %dma_wait3A_647 : memref<1x50x128xf32, #tpu.memory_space<hbm>> -> memref<50x128xf32, #tpu.memory_space<hbm>>
        %dma_wait3A_649 = tpu.memref_slice %arg8[%dma_wait3A_640] : memref<8x!tpu.dma_semaphore, #tpu.memory_space<semaphore_mem>> -> memref<1x!tpu.dma_semaphore, #tpu.memory_space<semaphore_mem>>
        %dma_wait3A_650 = tpu.memref_squeeze %dma_wait3A_649 : memref<1x!tpu.dma_semaphore, #tpu.memory_space<semaphore_mem>> -> memref<!tpu.dma_semaphore, #tpu.memory_space<semaphore_mem>>
        %dma_wait3A_651 = arith.constant 0 : i32
        %dma_wait3A_652 = arith.constant 0 : i32
        %dma_wait3A_653 = tpu.memref_slice %arg4[%add3A_638, %dma_wait3A_651, %dma_wait3A_652] : memref<4096x50x128xf32, #tpu.memory_space<hbm>> -> memref<1x50x128xf32, #tpu.memory_space<hbm>>
        %dma_wait3A_654 = tpu.memref_squeeze %dma_wait3A_653 : memref<1x50x128xf32, #tpu.memory_space<hbm>> -> memref<50x128xf32, #tpu.memory_space<hbm>>
        %dma_wait3A_655 = arith.constant 0 : i32
        %dma_wait3A_656 = arith.constant 0 : i32
        %dma_wait3A_657 = tpu.memref_slice %arg6[%dma_wait3A_639, %dma_wait3A_655, %dma_wait3A_656] : memref<8x50x128xf32, #tpu.memory_space<vmem>> -> memref<1x50x128xf32, #tpu.memory_space<vmem>>
        %dma_wait3A_658 = tpu.memref_squeeze %dma_wait3A_657 : memref<1x50x128xf32, #tpu.memory_space<vmem>> -> memref<50x128xf32, #tpu.memory_space<vmem>>
        tpu.wait_dma2 semaphore(%dma_wait3A_650 : memref<!tpu.dma_semaphore, #tpu.memory_space<semaphore_mem>>) src(%dma_wait3A_658 : memref<50x128xf32, #tpu.memory_space<vmem>>) dst(%dma_wait3A_654 : memref<50x128xf32, #tpu.memory_space<hbm>>)
        %add3A_659 = arith.constant 8 : i32
        %add3A_660 = arith.addi %add3A_595, %add3A_659 : i32
        %dma_start3A_661 = arith.constant 7 : i32
        %dma_start3A_662 = arith.constant 7 : i32
        %dma_start3A_663 = arith.constant 0 : i32
        %dma_start3A_664 = arith.constant 0 : i32
        %dma_start3A_665 = tpu.memref_slice %arg6[%dma_start3A_661, %dma_start3A_663, %dma_start3A_664] : memref<8x50x128xf32, #tpu.memory_space<vmem>> -> memref<1x50x128xf32, #tpu.memory_space<vmem>>
        %dma_start3A_666 = tpu.memref_squeeze %dma_start3A_665 : memref<1x50x128xf32, #tpu.memory_space<vmem>> -> memref<50x128xf32, #tpu.memory_space<vmem>>
        %dma_start3A_667 = arith.constant 0 : i32
        %dma_start3A_668 = tpu.memref_slice %arg5[%add3A_660, %dma_start3A_667] : memref<128x50xi32, #tpu.memory_space<vmem>> -> memref<1x50xi32, #tpu.memory_space<vmem>>
        %dma_start3A_669 = tpu.memref_squeeze %dma_start3A_668 : memref<1x50xi32, #tpu.memory_space<vmem>> -> memref<50xi32, #tpu.memory_space<vmem>>
        %dma_start3A_670 = arith.constant 0 : i32
        %dma_start3A_671 = arith.constant 0 : i32
        %dma_start3A_672 = tpu.memref_slice %arg3[%dma_start3A_670, %dma_start3A_671] : memref<100000x128xf32, #tpu.memory_space<hbm>> -> memref<100000x128xf32, #tpu.memory_space<hbm>>
        %dma_start3A_673 = tpu.memref_slice %arg7[%dma_start3A_662] : memref<8x!tpu.dma_semaphore, #tpu.memory_space<semaphore_mem>> -> memref<1x!tpu.dma_semaphore, #tpu.memory_space<semaphore_mem>>
        %dma_start3A_674 = tpu.memref_squeeze %dma_start3A_673 : memref<1x!tpu.dma_semaphore, #tpu.memory_space<semaphore_mem>> -> memref<!tpu.dma_semaphore, #tpu.memory_space<semaphore_mem>>
        tpu.enqueue_indirect_dma source(%dma_start3A_672 : memref<100000x128xf32, #tpu.memory_space<hbm>>) target(%dma_start3A_666 : memref<50x128xf32, #tpu.memory_space<vmem>>) offsets(%dma_start3A_669 : memref<50xi32, #tpu.memory_space<vmem>>) semaphore(%dma_start3A_674 : memref<!tpu.dma_semaphore, #tpu.memory_space<semaphore_mem>>)
      } else {
      }
    }
    %scan3A_126 = arith.constant 16 : i32
    %dma_wait3A = arith.constant 0 : i32
    %dma_wait3A_127 = arith.constant 0 : i32
    %dma_wait3A_128 = arith.constant 0 : i32
    %dma_wait3A_129 = arith.constant 0 : i32
    %dma_wait3A_130 = tpu.memref_slice %arg6[%dma_wait3A, %dma_wait3A_128, %dma_wait3A_129] : memref<8x50x128xf32, #tpu.memory_space<vmem>> -> memref<1x50x128xf32, #tpu.memory_space<vmem>>
    %dma_wait3A_131 = tpu.memref_squeeze %dma_wait3A_130 : memref<1x50x128xf32, #tpu.memory_space<vmem>> -> memref<50x128xf32, #tpu.memory_space<vmem>>
    %dma_wait3A_132 = arith.constant 0 : i32
    %dma_wait3A_133 = arith.constant 0 : i32
    %dma_wait3A_134 = tpu.memref_slice %arg4[%mul3A_2, %dma_wait3A_132, %dma_wait3A_133] : memref<4096x50x128xf32, #tpu.memory_space<hbm>> -> memref<1x50x128xf32, #tpu.memory_space<hbm>>
    %dma_wait3A_135 = tpu.memref_squeeze %dma_wait3A_134 : memref<1x50x128xf32, #tpu.memory_space<hbm>> -> memref<50x128xf32, #tpu.memory_space<hbm>>
    %dma_wait3A_136 = tpu.memref_slice %arg8[%dma_wait3A_127] : memref<8x!tpu.dma_semaphore, #tpu.memory_space<semaphore_mem>> -> memref<1x!tpu.dma_semaphore, #tpu.memory_space<semaphore_mem>>
    %dma_wait3A_137 = tpu.memref_squeeze %dma_wait3A_136 : memref<1x!tpu.dma_semaphore, #tpu.memory_space<semaphore_mem>> -> memref<!tpu.dma_semaphore, #tpu.memory_space<semaphore_mem>>
    %dma_wait3A_138 = arith.constant 0 : i32
    %dma_wait3A_139 = arith.constant 0 : i32
    %dma_wait3A_140 = tpu.memref_slice %arg4[%mul3A_2, %dma_wait3A_138, %dma_wait3A_139] : memref<4096x50x128xf32, #tpu.memory_space<hbm>> -> memref<1x50x128xf32, #tpu.memory_space<hbm>>
    %dma_wait3A_141 = tpu.memref_squeeze %dma_wait3A_140 : memref<1x50x128xf32, #tpu.memory_space<hbm>> -> memref<50x128xf32, #tpu.memory_space<hbm>>
    %dma_wait3A_142 = arith.constant 0 : i32
    %dma_wait3A_143 = arith.constant 0 : i32
    %dma_wait3A_144 = tpu.memref_slice %arg6[%dma_wait3A, %dma_wait3A_142, %dma_wait3A_143] : memref<8x50x128xf32, #tpu.memory_space<vmem>> -> memref<1x50x128xf32, #tpu.memory_space<vmem>>
    %dma_wait3A_145 = tpu.memref_squeeze %dma_wait3A_144 : memref<1x50x128xf32, #tpu.memory_space<vmem>> -> memref<50x128xf32, #tpu.memory_space<vmem>>
    tpu.wait_dma2 semaphore(%dma_wait3A_137 : memref<!tpu.dma_semaphore, #tpu.memory_space<semaphore_mem>>) src(%dma_wait3A_145 : memref<50x128xf32, #tpu.memory_space<vmem>>) dst(%dma_wait3A_141 : memref<50x128xf32, #tpu.memory_space<hbm>>)
    %dma_wait3A_146 = arith.constant 1 : i32
    %dma_wait3A_147 = arith.constant 1 : i32
    %dma_wait3A_148 = arith.constant 0 : i32
    %dma_wait3A_149 = arith.constant 0 : i32
    %dma_wait3A_150 = tpu.memref_slice %arg6[%dma_wait3A_146, %dma_wait3A_148, %dma_wait3A_149] : memref<8x50x128xf32, #tpu.memory_space<vmem>> -> memref<1x50x128xf32, #tpu.memory_space<vmem>>
    %dma_wait3A_151 = tpu.memref_squeeze %dma_wait3A_150 : memref<1x50x128xf32, #tpu.memory_space<vmem>> -> memref<50x128xf32, #tpu.memory_space<vmem>>
    %dma_wait3A_152 = arith.constant 0 : i32
    %dma_wait3A_153 = arith.constant 0 : i32
    %dma_wait3A_154 = tpu.memref_slice %arg4[%mul3A_2, %dma_wait3A_152, %dma_wait3A_153] : memref<4096x50x128xf32, #tpu.memory_space<hbm>> -> memref<1x50x128xf32, #tpu.memory_space<hbm>>
    %dma_wait3A_155 = tpu.memref_squeeze %dma_wait3A_154 : memref<1x50x128xf32, #tpu.memory_space<hbm>> -> memref<50x128xf32, #tpu.memory_space<hbm>>
    %dma_wait3A_156 = tpu.memref_slice %arg8[%dma_wait3A_147] : memref<8x!tpu.dma_semaphore, #tpu.memory_space<semaphore_mem>> -> memref<1x!tpu.dma_semaphore, #tpu.memory_space<semaphore_mem>>
    %dma_wait3A_157 = tpu.memref_squeeze %dma_wait3A_156 : memref<1x!tpu.dma_semaphore, #tpu.memory_space<semaphore_mem>> -> memref<!tpu.dma_semaphore, #tpu.memory_space<semaphore_mem>>
    %dma_wait3A_158 = arith.constant 0 : i32
    %dma_wait3A_159 = arith.constant 0 : i32
    %dma_wait3A_160 = tpu.memref_slice %arg4[%mul3A_2, %dma_wait3A_158, %dma_wait3A_159] : memref<4096x50x128xf32, #tpu.memory_space<hbm>> -> memref<1x50x128xf32, #tpu.memory_space<hbm>>
    %dma_wait3A_161 = tpu.memref_squeeze %dma_wait3A_160 : memref<1x50x128xf32, #tpu.memory_space<hbm>> -> memref<50x128xf32, #tpu.memory_space<hbm>>
    %dma_wait3A_162 = arith.constant 0 : i32
    %dma_wait3A_163 = arith.constant 0 : i32
    %dma_wait3A_164 = tpu.memref_slice %arg6[%dma_wait3A_146, %dma_wait3A_162, %dma_wait3A_163] : memref<8x50x128xf32, #tpu.memory_space<vmem>> -> memref<1x50x128xf32, #tpu.memory_space<vmem>>
    %dma_wait3A_165 = tpu.memref_squeeze %dma_wait3A_164 : memref<1x50x128xf32, #tpu.memory_space<vmem>> -> memref<50x128xf32, #tpu.memory_space<vmem>>
    tpu.wait_dma2 semaphore(%dma_wait3A_157 : memref<!tpu.dma_semaphore, #tpu.memory_space<semaphore_mem>>) src(%dma_wait3A_165 : memref<50x128xf32, #tpu.memory_space<vmem>>) dst(%dma_wait3A_161 : memref<50x128xf32, #tpu.memory_space<hbm>>)
    %dma_wait3A_166 = arith.constant 2 : i32
    %dma_wait3A_167 = arith.constant 2 : i32
    %dma_wait3A_168 = arith.constant 0 : i32
    %dma_wait3A_169 = arith.constant 0 : i32
    %dma_wait3A_170 = tpu.memref_slice %arg6[%dma_wait3A_166, %dma_wait3A_168, %dma_wait3A_169] : memref<8x50x128xf32, #tpu.memory_space<vmem>> -> memref<1x50x128xf32, #tpu.memory_space<vmem>>
    %dma_wait3A_171 = tpu.memref_squeeze %dma_wait3A_170 : memref<1x50x128xf32, #tpu.memory_space<vmem>> -> memref<50x128xf32, #tpu.memory_space<vmem>>
    %dma_wait3A_172 = arith.constant 0 : i32
    %dma_wait3A_173 = arith.constant 0 : i32
    %dma_wait3A_174 = tpu.memref_slice %arg4[%mul3A_2, %dma_wait3A_172, %dma_wait3A_173] : memref<4096x50x128xf32, #tpu.memory_space<hbm>> -> memref<1x50x128xf32, #tpu.memory_space<hbm>>
    %dma_wait3A_175 = tpu.memref_squeeze %dma_wait3A_174 : memref<1x50x128xf32, #tpu.memory_space<hbm>> -> memref<50x128xf32, #tpu.memory_space<hbm>>
    %dma_wait3A_176 = tpu.memref_slice %arg8[%dma_wait3A_167] : memref<8x!tpu.dma_semaphore, #tpu.memory_space<semaphore_mem>> -> memref<1x!tpu.dma_semaphore, #tpu.memory_space<semaphore_mem>>
    %dma_wait3A_177 = tpu.memref_squeeze %dma_wait3A_176 : memref<1x!tpu.dma_semaphore, #tpu.memory_space<semaphore_mem>> -> memref<!tpu.dma_semaphore, #tpu.memory_space<semaphore_mem>>
    %dma_wait3A_178 = arith.constant 0 : i32
    %dma_wait3A_179 = arith.constant 0 : i32
    %dma_wait3A_180 = tpu.memref_slice %arg4[%mul3A_2, %dma_wait3A_178, %dma_wait3A_179] : memref<4096x50x128xf32, #tpu.memory_space<hbm>> -> memref<1x50x128xf32, #tpu.memory_space<hbm>>
    %dma_wait3A_181 = tpu.memref_squeeze %dma_wait3A_180 : memref<1x50x128xf32, #tpu.memory_space<hbm>> -> memref<50x128xf32, #tpu.memory_space<hbm>>
    %dma_wait3A_182 = arith.constant 0 : i32
    %dma_wait3A_183 = arith.constant 0 : i32
    %dma_wait3A_184 = tpu.memref_slice %arg6[%dma_wait3A_166, %dma_wait3A_182, %dma_wait3A_183] : memref<8x50x128xf32, #tpu.memory_space<vmem>> -> memref<1x50x128xf32, #tpu.memory_space<vmem>>
    %dma_wait3A_185 = tpu.memref_squeeze %dma_wait3A_184 : memref<1x50x128xf32, #tpu.memory_space<vmem>> -> memref<50x128xf32, #tpu.memory_space<vmem>>
    tpu.wait_dma2 semaphore(%dma_wait3A_177 : memref<!tpu.dma_semaphore, #tpu.memory_space<semaphore_mem>>) src(%dma_wait3A_185 : memref<50x128xf32, #tpu.memory_space<vmem>>) dst(%dma_wait3A_181 : memref<50x128xf32, #tpu.memory_space<hbm>>)
    %dma_wait3A_186 = arith.constant 3 : i32
    %dma_wait3A_187 = arith.constant 3 : i32
    %dma_wait3A_188 = arith.constant 0 : i32
    %dma_wait3A_189 = arith.constant 0 : i32
    %dma_wait3A_190 = tpu.memref_slice %arg6[%dma_wait3A_186, %dma_wait3A_188, %dma_wait3A_189] : memref<8x50x128xf32, #tpu.memory_space<vmem>> -> memref<1x50x128xf32, #tpu.memory_space<vmem>>
    %dma_wait3A_191 = tpu.memref_squeeze %dma_wait3A_190 : memref<1x50x128xf32, #tpu.memory_space<vmem>> -> memref<50x128xf32, #tpu.memory_space<vmem>>
    %dma_wait3A_192 = arith.constant 0 : i32
    %dma_wait3A_193 = arith.constant 0 : i32
    %dma_wait3A_194 = tpu.memref_slice %arg4[%mul3A_2, %dma_wait3A_192, %dma_wait3A_193] : memref<4096x50x128xf32, #tpu.memory_space<hbm>> -> memref<1x50x128xf32, #tpu.memory_space<hbm>>
    %dma_wait3A_195 = tpu.memref_squeeze %dma_wait3A_194 : memref<1x50x128xf32, #tpu.memory_space<hbm>> -> memref<50x128xf32, #tpu.memory_space<hbm>>
    %dma_wait3A_196 = tpu.memref_slice %arg8[%dma_wait3A_187] : memref<8x!tpu.dma_semaphore, #tpu.memory_space<semaphore_mem>> -> memref<1x!tpu.dma_semaphore, #tpu.memory_space<semaphore_mem>>
    %dma_wait3A_197 = tpu.memref_squeeze %dma_wait3A_196 : memref<1x!tpu.dma_semaphore, #tpu.memory_space<semaphore_mem>> -> memref<!tpu.dma_semaphore, #tpu.memory_space<semaphore_mem>>
    %dma_wait3A_198 = arith.constant 0 : i32
    %dma_wait3A_199 = arith.constant 0 : i32
    %dma_wait3A_200 = tpu.memref_slice %arg4[%mul3A_2, %dma_wait3A_198, %dma_wait3A_199] : memref<4096x50x128xf32, #tpu.memory_space<hbm>> -> memref<1x50x128xf32, #tpu.memory_space<hbm>>
    %dma_wait3A_201 = tpu.memref_squeeze %dma_wait3A_200 : memref<1x50x128xf32, #tpu.memory_space<hbm>> -> memref<50x128xf32, #tpu.memory_space<hbm>>
    %dma_wait3A_202 = arith.constant 0 : i32
    %dma_wait3A_203 = arith.constant 0 : i32
    %dma_wait3A_204 = tpu.memref_slice %arg6[%dma_wait3A_186, %dma_wait3A_202, %dma_wait3A_203] : memref<8x50x128xf32, #tpu.memory_space<vmem>> -> memref<1x50x128xf32, #tpu.memory_space<vmem>>
    %dma_wait3A_205 = tpu.memref_squeeze %dma_wait3A_204 : memref<1x50x128xf32, #tpu.memory_space<vmem>> -> memref<50x128xf32, #tpu.memory_space<vmem>>
    tpu.wait_dma2 semaphore(%dma_wait3A_197 : memref<!tpu.dma_semaphore, #tpu.memory_space<semaphore_mem>>) src(%dma_wait3A_205 : memref<50x128xf32, #tpu.memory_space<vmem>>) dst(%dma_wait3A_201 : memref<50x128xf32, #tpu.memory_space<hbm>>)
    %dma_wait3A_206 = arith.constant 4 : i32
    %dma_wait3A_207 = arith.constant 4 : i32
    %dma_wait3A_208 = arith.constant 0 : i32
    %dma_wait3A_209 = arith.constant 0 : i32
    %dma_wait3A_210 = tpu.memref_slice %arg6[%dma_wait3A_206, %dma_wait3A_208, %dma_wait3A_209] : memref<8x50x128xf32, #tpu.memory_space<vmem>> -> memref<1x50x128xf32, #tpu.memory_space<vmem>>
    %dma_wait3A_211 = tpu.memref_squeeze %dma_wait3A_210 : memref<1x50x128xf32, #tpu.memory_space<vmem>> -> memref<50x128xf32, #tpu.memory_space<vmem>>
    %dma_wait3A_212 = arith.constant 0 : i32
    %dma_wait3A_213 = arith.constant 0 : i32
    %dma_wait3A_214 = tpu.memref_slice %arg4[%mul3A_2, %dma_wait3A_212, %dma_wait3A_213] : memref<4096x50x128xf32, #tpu.memory_space<hbm>> -> memref<1x50x128xf32, #tpu.memory_space<hbm>>
    %dma_wait3A_215 = tpu.memref_squeeze %dma_wait3A_214 : memref<1x50x128xf32, #tpu.memory_space<hbm>> -> memref<50x128xf32, #tpu.memory_space<hbm>>
    %dma_wait3A_216 = tpu.memref_slice %arg8[%dma_wait3A_207] : memref<8x!tpu.dma_semaphore, #tpu.memory_space<semaphore_mem>> -> memref<1x!tpu.dma_semaphore, #tpu.memory_space<semaphore_mem>>
    %dma_wait3A_217 = tpu.memref_squeeze %dma_wait3A_216 : memref<1x!tpu.dma_semaphore, #tpu.memory_space<semaphore_mem>> -> memref<!tpu.dma_semaphore, #tpu.memory_space<semaphore_mem>>
    %dma_wait3A_218 = arith.constant 0 : i32
    %dma_wait3A_219 = arith.constant 0 : i32
    %dma_wait3A_220 = tpu.memref_slice %arg4[%mul3A_2, %dma_wait3A_218, %dma_wait3A_219] : memref<4096x50x128xf32, #tpu.memory_space<hbm>> -> memref<1x50x128xf32, #tpu.memory_space<hbm>>
    %dma_wait3A_221 = tpu.memref_squeeze %dma_wait3A_220 : memref<1x50x128xf32, #tpu.memory_space<hbm>> -> memref<50x128xf32, #tpu.memory_space<hbm>>
    %dma_wait3A_222 = arith.constant 0 : i32
    %dma_wait3A_223 = arith.constant 0 : i32
    %dma_wait3A_224 = tpu.memref_slice %arg6[%dma_wait3A_206, %dma_wait3A_222, %dma_wait3A_223] : memref<8x50x128xf32, #tpu.memory_space<vmem>> -> memref<1x50x128xf32, #tpu.memory_space<vmem>>
    %dma_wait3A_225 = tpu.memref_squeeze %dma_wait3A_224 : memref<1x50x128xf32, #tpu.memory_space<vmem>> -> memref<50x128xf32, #tpu.memory_space<vmem>>
    tpu.wait_dma2 semaphore(%dma_wait3A_217 : memref<!tpu.dma_semaphore, #tpu.memory_space<semaphore_mem>>) src(%dma_wait3A_225 : memref<50x128xf32, #tpu.memory_space<vmem>>) dst(%dma_wait3A_221 : memref<50x128xf32, #tpu.memory_space<hbm>>)
    %dma_wait3A_226 = arith.constant 5 : i32
    %dma_wait3A_227 = arith.constant 5 : i32
    %dma_wait3A_228 = arith.constant 0 : i32
    %dma_wait3A_229 = arith.constant 0 : i32
    %dma_wait3A_230 = tpu.memref_slice %arg6[%dma_wait3A_226, %dma_wait3A_228, %dma_wait3A_229] : memref<8x50x128xf32, #tpu.memory_space<vmem>> -> memref<1x50x128xf32, #tpu.memory_space<vmem>>
    %dma_wait3A_231 = tpu.memref_squeeze %dma_wait3A_230 : memref<1x50x128xf32, #tpu.memory_space<vmem>> -> memref<50x128xf32, #tpu.memory_space<vmem>>
    %dma_wait3A_232 = arith.constant 0 : i32
    %dma_wait3A_233 = arith.constant 0 : i32
    %dma_wait3A_234 = tpu.memref_slice %arg4[%mul3A_2, %dma_wait3A_232, %dma_wait3A_233] : memref<4096x50x128xf32, #tpu.memory_space<hbm>> -> memref<1x50x128xf32, #tpu.memory_space<hbm>>
    %dma_wait3A_235 = tpu.memref_squeeze %dma_wait3A_234 : memref<1x50x128xf32, #tpu.memory_space<hbm>> -> memref<50x128xf32, #tpu.memory_space<hbm>>
    %dma_wait3A_236 = tpu.memref_slice %arg8[%dma_wait3A_227] : memref<8x!tpu.dma_semaphore, #tpu.memory_space<semaphore_mem>> -> memref<1x!tpu.dma_semaphore, #tpu.memory_space<semaphore_mem>>
    %dma_wait3A_237 = tpu.memref_squeeze %dma_wait3A_236 : memref<1x!tpu.dma_semaphore, #tpu.memory_space<semaphore_mem>> -> memref<!tpu.dma_semaphore, #tpu.memory_space<semaphore_mem>>
    %dma_wait3A_238 = arith.constant 0 : i32
    %dma_wait3A_239 = arith.constant 0 : i32
    %dma_wait3A_240 = tpu.memref_slice %arg4[%mul3A_2, %dma_wait3A_238, %dma_wait3A_239] : memref<4096x50x128xf32, #tpu.memory_space<hbm>> -> memref<1x50x128xf32, #tpu.memory_space<hbm>>
    %dma_wait3A_241 = tpu.memref_squeeze %dma_wait3A_240 : memref<1x50x128xf32, #tpu.memory_space<hbm>> -> memref<50x128xf32, #tpu.memory_space<hbm>>
    %dma_wait3A_242 = arith.constant 0 : i32
    %dma_wait3A_243 = arith.constant 0 : i32
    %dma_wait3A_244 = tpu.memref_slice %arg6[%dma_wait3A_226, %dma_wait3A_242, %dma_wait3A_243] : memref<8x50x128xf32, #tpu.memory_space<vmem>> -> memref<1x50x128xf32, #tpu.memory_space<vmem>>
    %dma_wait3A_245 = tpu.memref_squeeze %dma_wait3A_244 : memref<1x50x128xf32, #tpu.memory_space<vmem>> -> memref<50x128xf32, #tpu.memory_space<vmem>>
    tpu.wait_dma2 semaphore(%dma_wait3A_237 : memref<!tpu.dma_semaphore, #tpu.memory_space<semaphore_mem>>) src(%dma_wait3A_245 : memref<50x128xf32, #tpu.memory_space<vmem>>) dst(%dma_wait3A_241 : memref<50x128xf32, #tpu.memory_space<hbm>>)
    %dma_wait3A_246 = arith.constant 6 : i32
    %dma_wait3A_247 = arith.constant 6 : i32
    %dma_wait3A_248 = arith.constant 0 : i32
    %dma_wait3A_249 = arith.constant 0 : i32
    %dma_wait3A_250 = tpu.memref_slice %arg6[%dma_wait3A_246, %dma_wait3A_248, %dma_wait3A_249] : memref<8x50x128xf32, #tpu.memory_space<vmem>> -> memref<1x50x128xf32, #tpu.memory_space<vmem>>
    %dma_wait3A_251 = tpu.memref_squeeze %dma_wait3A_250 : memref<1x50x128xf32, #tpu.memory_space<vmem>> -> memref<50x128xf32, #tpu.memory_space<vmem>>
    %dma_wait3A_252 = arith.constant 0 : i32
    %dma_wait3A_253 = arith.constant 0 : i32
    %dma_wait3A_254 = tpu.memref_slice %arg4[%mul3A_2, %dma_wait3A_252, %dma_wait3A_253] : memref<4096x50x128xf32, #tpu.memory_space<hbm>> -> memref<1x50x128xf32, #tpu.memory_space<hbm>>
    %dma_wait3A_255 = tpu.memref_squeeze %dma_wait3A_254 : memref<1x50x128xf32, #tpu.memory_space<hbm>> -> memref<50x128xf32, #tpu.memory_space<hbm>>
    %dma_wait3A_256 = tpu.memref_slice %arg8[%dma_wait3A_247] : memref<8x!tpu.dma_semaphore, #tpu.memory_space<semaphore_mem>> -> memref<1x!tpu.dma_semaphore, #tpu.memory_space<semaphore_mem>>
    %dma_wait3A_257 = tpu.memref_squeeze %dma_wait3A_256 : memref<1x!tpu.dma_semaphore, #tpu.memory_space<semaphore_mem>> -> memref<!tpu.dma_semaphore, #tpu.memory_space<semaphore_mem>>
    %dma_wait3A_258 = arith.constant 0 : i32
    %dma_wait3A_259 = arith.constant 0 : i32
    %dma_wait3A_260 = tpu.memref_slice %arg4[%mul3A_2, %dma_wait3A_258, %dma_wait3A_259] : memref<4096x50x128xf32, #tpu.memory_space<hbm>> -> memref<1x50x128xf32, #tpu.memory_space<hbm>>
    %dma_wait3A_261 = tpu.memref_squeeze %dma_wait3A_260 : memref<1x50x128xf32, #tpu.memory_space<hbm>> -> memref<50x128xf32, #tpu.memory_space<hbm>>
    %dma_wait3A_262 = arith.constant 0 : i32
    %dma_wait3A_263 = arith.constant 0 : i32
    %dma_wait3A_264 = tpu.memref_slice %arg6[%dma_wait3A_246, %dma_wait3A_262, %dma_wait3A_263] : memref<8x50x128xf32, #tpu.memory_space<vmem>> -> memref<1x50x128xf32, #tpu.memory_space<vmem>>
    %dma_wait3A_265 = tpu.memref_squeeze %dma_wait3A_264 : memref<1x50x128xf32, #tpu.memory_space<vmem>> -> memref<50x128xf32, #tpu.memory_space<vmem>>
    tpu.wait_dma2 semaphore(%dma_wait3A_257 : memref<!tpu.dma_semaphore, #tpu.memory_space<semaphore_mem>>) src(%dma_wait3A_265 : memref<50x128xf32, #tpu.memory_space<vmem>>) dst(%dma_wait3A_261 : memref<50x128xf32, #tpu.memory_space<hbm>>)
    %dma_wait3A_266 = arith.constant 7 : i32
    %dma_wait3A_267 = arith.constant 7 : i32
    %dma_wait3A_268 = arith.constant 0 : i32
    %dma_wait3A_269 = arith.constant 0 : i32
    %dma_wait3A_270 = tpu.memref_slice %arg6[%dma_wait3A_266, %dma_wait3A_268, %dma_wait3A_269] : memref<8x50x128xf32, #tpu.memory_space<vmem>> -> memref<1x50x128xf32, #tpu.memory_space<vmem>>
    %dma_wait3A_271 = tpu.memref_squeeze %dma_wait3A_270 : memref<1x50x128xf32, #tpu.memory_space<vmem>> -> memref<50x128xf32, #tpu.memory_space<vmem>>
    %dma_wait3A_272 = arith.constant 0 : i32
    %dma_wait3A_273 = arith.constant 0 : i32
    %dma_wait3A_274 = tpu.memref_slice %arg4[%mul3A_2, %dma_wait3A_272, %dma_wait3A_273] : memref<4096x50x128xf32, #tpu.memory_space<hbm>> -> memref<1x50x128xf32, #tpu.memory_space<hbm>>
    %dma_wait3A_275 = tpu.memref_squeeze %dma_wait3A_274 : memref<1x50x128xf32, #tpu.memory_space<hbm>> -> memref<50x128xf32, #tpu.memory_space<hbm>>
    %dma_wait3A_276 = tpu.memref_slice %arg8[%dma_wait3A_267] : memref<8x!tpu.dma_semaphore, #tpu.memory_space<semaphore_mem>> -> memref<1x!tpu.dma_semaphore, #tpu.memory_space<semaphore_mem>>
    %dma_wait3A_277 = tpu.memref_squeeze %dma_wait3A_276 : memref<1x!tpu.dma_semaphore, #tpu.memory_space<semaphore_mem>> -> memref<!tpu.dma_semaphore, #tpu.memory_space<semaphore_mem>>
    %dma_wait3A_278 = arith.constant 0 : i32
    %dma_wait3A_279 = arith.constant 0 : i32
    %dma_wait3A_280 = tpu.memref_slice %arg4[%mul3A_2, %dma_wait3A_278, %dma_wait3A_279] : memref<4096x50x128xf32, #tpu.memory_space<hbm>> -> memref<1x50x128xf32, #tpu.memory_space<hbm>>
    %dma_wait3A_281 = tpu.memref_squeeze %dma_wait3A_280 : memref<1x50x128xf32, #tpu.memory_space<hbm>> -> memref<50x128xf32, #tpu.memory_space<hbm>>
    %dma_wait3A_282 = arith.constant 0 : i32
    %dma_wait3A_283 = arith.constant 0 : i32
    %dma_wait3A_284 = tpu.memref_slice %arg6[%dma_wait3A_266, %dma_wait3A_282, %dma_wait3A_283] : memref<8x50x128xf32, #tpu.memory_space<vmem>> -> memref<1x50x128xf32, #tpu.memory_space<vmem>>
    %dma_wait3A_285 = tpu.memref_squeeze %dma_wait3A_284 : memref<1x50x128xf32, #tpu.memory_space<vmem>> -> memref<50x128xf32, #tpu.memory_space<vmem>>
    tpu.wait_dma2 semaphore(%dma_wait3A_277 : memref<!tpu.dma_semaphore, #tpu.memory_space<semaphore_mem>>) src(%dma_wait3A_285 : memref<50x128xf32, #tpu.memory_space<vmem>>) dst(%dma_wait3A_281 : memref<50x128xf32, #tpu.memory_space<hbm>>)
    return
  }
}

</mosaic_0001>

<sc_bundles>
// kernel: kernel.3.cloned.1.call-start
scs
__scs_entry_jumppad:
0x0: {  	(pc) =	sbr.rel $0x88, $3  }
0x1: {  	(tag) =	ssettag $0x0;
	lr =	simm.s32 $0x1  }
0x2: {  	[smem:$0x3F9F] =	sst lr;
	_ =	strace $0xD0000000  }
0x3: {  	_ = 	snop  }
0x4: {  	_ = 	snop  }
0x5: {  	_ = 	snop  }
0x6: {  	_ = 	snop  }
0x7: {  	_ = 	snop  }
__scs_overlays_trampoline_lowered:
0x8: {  	[smem:$0x3FAE] =	sst s0  }
0x9: {  	[smem:$0x3FAF] =	sst s1  }
0xa: {  	[smem:$0x3FB0] =	sst s2  }
0xb: {  	[smem:$0x3FB1] =	sst s3  }
0xc: {  	[smem:$0x3FB2] =	sst s4  }
0xd: {  	[smem:$0x3FB3] =	sst s5  }
0xe: {  	[smem:$0x3FB4] =	sst s6  }
0xf: {  	[smem:$0x3FB5] =	sst s7  }
0x10: {  	[smem:$0x3FB6] =	sst s8  }
0x11: {  	[smem:$0x3FB7] =	sst s9;
	s0 =	simm.s32 @!p0 $0x0  }
0x12: {  	s1 =	sld [smem:$0x3F9D];
	s0 =	simm.s32 @p0 $0x1  }
0x13: {  	[smem:$0x3FB8] =	sst s0;
	s0 =	simm.s32 @!p1 $0x0  }
0x14: {  	s2 =	sld [smem:$0x3F9C];
	s0 =	simm.s32 @p1 $0x1  }
0x15: {  	[smem:$0x3FB9] =	sst s0;
	s0 =	simm.s32 @!p2 $0x0  }
0x16: {  	s3 =	sld [smem:$0x3FDB];
	s0 =	simm.s32 @p2 $0x1  }
0x17: {  	s4 =	simm.s32 $0x1BF5;
	[smem:$0x3FBB] =	sst s0  }
0x18: {  	s0 =	sld [smem:$0x3F9E];
	_ =	swait.ge [sflag:s4], $0x0  }
0x19: {  	s7 =	sld [smem:$0x3F9F]  }
0x1a: {  	s8 =	sadd.s32 $0xFFFFE003, lr  }
0x1b: {  	s9 =	sadd.s32 $0xFFFFFEF7, lr;
	s5 =	simm.s32 $0xFFFFFFFF;
	p2 =	slt.u32 s8, $0xFFFFF086  }
0x1c: {  	p1 =	slt.u32 s9, $0xF7A;
	s5 =	simm.s32 @!p2 $0x0  }
0x1d: {  	s5 =	simm.s32 @p1 $0x1;
	p0 =	seq.s32 s7, s2  }
0x1e: {  	s7 =	smul.u32 @!p0 $0xF7A, s2;
	p2 =	seq.s32 @!p0 s5, $0x0  }
0x1f: {  	s9 =	smul.u32 $0xF7A, s1;
	s8 =	simm.s32 @!p0 $0x1BF5;
	p2 =	por !p2, p0  }
0x20: {  	[sflag:s8] =	ssyncset.s32 @!p0 $0xFFFFF086;
	s6 =	sadd.s32 @!p0 s3, s7;
	s7 =	simm.s32 @!p0 $0x108  }
0x21: {  	s3 =	sadd.s32 s3, s9;
	s6 =	sadd.s32 @!p0 $0x88, s6;
	s7 =	simm.s32 @p2 $0x1082  }
0x22: {  	[simem:s7], [sflag:s8] =	dma.local @!p0 [hbm:s6], $0xF7A  }
0x23: {  	s9 =	sor.u32 $0xD0000000, s2;
	s6 =	simm.s32 $0x108;
	_ =	swait.ge @!p0 [sflag:s8], $0x0  }
0x24: {  	s3 =	sadd.s32 $0x88, s3;
	s6 =	simm.s32 @!p1 $0x1082;
	[sflag:s4] =	ssyncset.s32 $0xFFFFF086  }
0x25: {  	[simem:s6], [sflag:s4] =	dma.local [hbm:s3], $0xF7A  }
0x26: {  	[smem:$0x3F9F] =	sst s1;
	(tag) =	ssettag s2;
	_ =	strace s9  }
0x27: {  	s1 =	sld [smem:$0x3FAF]  }
0x28: {  	s2 =	sld [smem:$0x3FB0]  }
0x29: {  	s4 =	sld [smem:$0x3FB2]  }
0x2a: {  	p0 =	seq.s32 s5, $0x0;
	s5 =	sld [smem:$0x3FB3]  }
0x2b: {  	s6 =	sld [smem:$0x3FB4]  }
0x2c: {  	s7 =	sld [smem:$0x3FB5]  }
0x2d: {  	s3 =	simm.s32 $0x108;
	s8 =	sld [smem:$0x3FB6]  }
0x2e: {  	s3 =	simm.s32 @!p0 $0x1082;
	s9 =	sld [smem:$0x3FB7]  }
0x2f: {  	lr =	sadd.s32 s0, s3;
	s0 =	sld [smem:$0x3FAE]  }
0x30: {  	s3 =	sld [smem:$0x3FB1]  }
0x31: {  	[smem:$0x3FBA] =	sst s10  }
0x32: {  	s10 =	sld [smem:$0x3FB8];
	_ =	sdelay $0x3  }
0x33: {  	p0 =	seq.s32 s10, $0x1;
	s10 =	sld [smem:$0x3FBA];
	_ =	sdelay $0x3  }
0x34: {  	[smem:$0x3FBA] =	sst s10  }
0x35: {  	s10 =	sld [smem:$0x3FB9];
	_ =	sdelay $0x3  }
0x36: {  	p1 =	seq.s32 s10, $0x1;
	s10 =	sld [smem:$0x3FBA];
	_ =	sdelay $0x3  }
0x37: {  	[smem:$0x3FBA] =	sst s10  }
0x38: {  	s10 =	sld [smem:$0x3FBB]  }
0x39: {  	_ = 	snop;
	(pc) =	sbr.ind lr, $3  }
0x3a: {  	_ = 	snop  }
0x3b: {  	_ = 	snop  }
0x3c: {  	p2 =	seq.s32 s10, $0x1;
	s10 =	sld [smem:$0x3FBA]  }
0x3d: {  	_ =	shalt  }
0x3e: {  	_ =	shalt  }
0x3f: {  	_ =	shalt  }
0x40: {  	_ =	shalt  }
0x41: {  	_ =	shalt  }
0x42: {  	_ =	shalt  }
0x43: {  	_ =	shalt  }
0x44: {  	_ =	shalt  }
0x45: {  	_ =	shalt  }
0x46: {  	_ =	shalt  }
0x47: {  	_ =	shalt  }
0x48: {  	_ =	shalt  }
0x49: {  	_ =	shalt  }
0x4a: {  	_ =	shalt  }
0x4b: {  	_ =	shalt  }
0x4c: {  	_ =	shalt  }
0x4d: {  	_ =	shalt  }
0x4e: {  	_ =	shalt  }
0x4f: {  	_ =	shalt  }
0x50: {  	_ =	shalt  }
0x51: {  	_ =	shalt  }
0x52: {  	_ =	shalt  }
0x53: {  	_ =	shalt  }
0x54: {  	_ =	shalt  }
0x55: {  	_ =	shalt  }
0x56: {  	_ =	shalt  }
0x57: {  	_ =	shalt  }
0x58: {  	_ =	shalt  }
0x59: {  	_ =	shalt  }
0x5a: {  	_ =	shalt  }
0x5b: {  	_ =	shalt  }
0x5c: {  	_ =	shalt  }
0x5d: {  	_ =	shalt  }
0x5e: {  	_ =	shalt  }
0x5f: {  	_ =	shalt  }
0x60: {  	_ =	shalt  }
0x61: {  	_ =	shalt  }
0x62: {  	_ =	shalt  }
0x63: {  	_ =	shalt  }
0x64: {  	_ =	shalt  }
0x65: {  	_ =	shalt  }
0x66: {  	_ =	shalt  }
0x67: {  	_ =	shalt  }
0x68: {  	_ =	shalt  }
0x69: {  	_ =	shalt  }
0x6a: {  	_ =	shalt  }
0x6b: {  	_ =	shalt  }
0x6c: {  	_ =	shalt  }
0x6d: {  	_ =	shalt  }
0x6e: {  	_ =	shalt  }
0x6f: {  	_ =	shalt  }
0x70: {  	_ =	shalt  }
0x71: {  	_ =	shalt  }
0x72: {  	_ =	shalt  }
0x73: {  	_ =	shalt  }
0x74: {  	_ =	shalt  }
0x75: {  	_ =	shalt  }
0x76: {  	_ =	shalt  }
0x77: {  	_ =	shalt  }
0x78: {  	_ =	shalt  }
0x79: {  	_ =	shalt  }
0x7a: {  	_ =	shalt  }
0x7b: {  	_ =	shalt  }
0x7c: {  	_ =	shalt  }
0x7d: {  	_ =	shalt  }
0x7e: {  	_ =	shalt  }
0x7f: {  	_ =	shalt  }
0x80: {  	_ =	shalt  }
0x81: {  	_ =	shalt  }
0x82: {  	_ =	shalt  }
0x83: {  	_ =	shalt  }
0x84: {  	_ =	shalt  }
0x85: {  	_ =	shalt  }
0x86: {  	_ =	shalt  }
0x87: {  	_ =	shalt  }
.Lfunc_end0:
.L_simem_size_0:
called_computation_lowered:
.L_overlay_start_0:
0x88: {  	s2 =	sld [smem:$0x3FD9]  }
0x89: {  	s3 =	sld [smem:$0x3FFE];
	_ =	sdelay $0x1  }
0x8a: {  	s1 =	srdreg.scid  }
0x8b: {  	s0 =	sand.u32 $0x1, s1  }
0x8c: {  	s17 =	sshll.u32 s0, $0xA;
	s2 =	sadd.s32 s3, s2  }
0x8d: {  	s2 =	sadd.s32 s2, s17  }
0x8e: {  	[smem:$0x3FC6] =	sst s2  }
0x8f: {  	_ = 	snop  }
0x90: {  	s2 =	sld [smem:$0x3FC8]  }
0x91: {  	s18 =	sld [smem:$0x3FD0];
	(tm) =	ssettm $0x1  }
0x92: {  	s4 =	sld [smem:$0x3FFB];
	_ =	sdelay $0x3  }
0x93: {  	_ =	strace s4  }
0x94: {  	s4 =	sld [smem:$0x3FFC];
	_ =	sdelay $0x3  }
0x95: {  	_ =	strace s4  }
0x96: {  	s4 =	sld [smem:$0x3FFD];
	_ =	sdelay $0x3  }
0x97: {  	_ =	strace s4  }
0x98: {  	_ =	strace $0x8FFFFFFF  }
0x99: {  	s19 =	sld [smem:$0x3FDB];
	_ =	sdelay $0x1  }
0x9a: {  	s5 =	simm.s32 $_scs_section_size  }
0x9b: {  	s6 =	simm.s32 $_size__tile_overlayer_lowered;
	s7 =	simm.s32 $_tile_overlayer_lowered  }
0x9c: {  	s22 =	simm.s32 $0x1BFF;
	s21 =	sshll.u32 s7, $0x1;
	s4 =	sadd.s32 s5, s19  }
0x9d: {  	s8 =	simm.s32 $0x0;
	s20 =	sshll.u32 s6, $0x1;
	s6 =	sadd.s32 s21, s4  }
0x9e: {  	[timem:s8], [sflag:s22] =	dma.local [hbm:s6], s20  }
0x9f: {  	_ =	swait.ge [sflag:s22], s20  }
0xa0: {  	s5 =	ssub.s32 $0x0, s20;
	[sflag:s22] =	ssyncset.done $0x0  }
0xa1: {  	[sflag:s22] =	ssyncadd.s32 s5;
	_ =	sdelay $0x1  }
0xa2: {  	s23 =	simm.s32 $0x1B8B  }
0xa3: {  	_ =	swait.ge [sflag:s23], $0x1  }
0xa4: {  	[sflag:s23] =	ssyncset.done $0x0  }
0xa5: {  	s25 =	simm.s32 $0x1B8E;
	s24 =	sld [smem:$0x3FFE];
	[sflag:s23] =	ssyncadd.s32 $0xFFFFFFFF  }
0xa6: {  	s26 =	simm.s32 $execute0_lowered;
	[smem:$0x3FD2] =	sst s25  }
0xa7: {  	s6 =	sshll.u32 s26, $0x1;
	_ =	strace $0x80000046;
	[dreg:$0x1] =	wrdreg $0xFFFFFFFF  }
0xa8: {  	s28 =	simm.s32 $_size_execute0_lowered;
	s4 =	sadd.s32 s4, s6;
	[dreg:$0x0] =	wrdreg $0x0  }
0xa9: {  	s6 =	sshll.u32 s28, $0x1;
	[dreg:$0x2] =	wrdreg s4  }
0xaa: {  	[dreg:$0x3] =	wrdreg s6  }
0xab: {  	[dreg:$0x4] =	wrdreg $0xC0  }
0xac: {  	_ =	task [dreg:s8], $0x5FFFF  }
0xad: {  	[dreg:$0x1] =	wrdreg $0xFFFFFFFF  }
0xae: {  	[dreg:$0x0] =	wrdreg $0x60  }
0xaf: {  	[dreg:$0x2] =	wrdreg s18  }
0xb0: {  	[dreg:$0x3] =	wrdreg s2  }
0xb1: {  	[dreg:$0x4] =	wrdreg s24  }
0xb2: {  	[dreg:$0x5] =	wrdreg $0x9  }
0xb3: {  	_ =	task.clear_ibuf [dreg:s8], $0x6FFFF;
	_ =	strace $0x90000046  }
0xb4: {  	s29 =	simm.s32 $0x9;
	_ =	strace $0x80000048  }
0xb5: {  	_ =	swait.ge [sflag:s29], $0x1  }
0xb6: {  	[sflag:s29] =	ssyncadd.s32 $0xFFFFFFFF  }
0xb7: {  	_ =	strace $0x90000048  }
0xb8: {  	_ =	sfence  }
0xb9: {  	s30 =	sld [smem:$0x0];
	_ =	sdelay $0x2  }
0xba: {  	s31 =	sshll.u32 s1, $0xD;
	s1 =	sshrl.u32 s1, $0x2  }
0xbb: {  	s3 =	sand.u32 $0x4000, s31;
	s1 =	sadd.s32 s1, s30  }
0xbc: {  	s0 =	sor.u32 s3, s0;
	s1 =	sshll.u32 s1, $0x11  }
0xbd: {  	s0 =	sor.u32 s1, s0  }
0xbe: {  	s0 =	sadd.s32 $0x8F2B, s0  }
0xbf: {  	[sflag:s0] =	ssyncadd.remote.s32 $0x1  }
0xc0: {  	_ =	sfence.sel $0xFFFF  }
0xc1: {  	[dreg:$0x0] =	wrdreg $0xFFFFFFFF;
	(pc) =	sbr.abs _section_cstart, $3  }
0xc2: {  	[dreg:$0x1] =	wrdreg $0xFFFFFFFF  }
0xc3: {  	_ =	task.clear_ibuf [dreg:s8], $0x2FFFF;
	_ =	strace $0x9FFFFFFF  }
0xc4: {  	(tm) =	ssettm $0x7FFFFFFF  }
0xc5: {  	_ =	shalt  }
tec
execute0_lowered:
.L_overlay_start_1:
0x0: {  	(tag) =	ssettag $0x1  }
0x1: {  	s0 =	rddreg [dreg:$0x0]  }
0x2: {  	s1 =	rddreg [dreg:$0x1]  }
0x3: {  	s2 =	rddreg [dreg:$0x2];
	s3 =	simm.s32 $0x0  }
0x4: {  	s4 =	srdreg.scid;
	s7 =	stileid.u32;
	s9 =	simm.s32 $0x4000  }
0x5: {  	s11 =	simm.s32 $0x5C00;
	s13 =	simm.s32 $0x7800;
	s15 =	simm.s32 $0x9400  }
0x6: {  	s17 =	simm.s32 $0xB000;
	s19 =	simm.s32 $0xCC00;
	s21 =	simm.s32 $0xE800  }
0x7: {  	s23 =	simm.s32 $0x10400;
	s28 =	simm.s32 $0x4;
	s29 =	simm.s32 $0x5  }
0x8: {  	s30 =	simm.s32 $0x6;
	s31 =	simm.s32 $0x7;
	s14 =	simm.s32 $0xC  }
0x9: {  	s16 =	simm.s32 $0xD;
	s18 =	simm.s32 $0xE;
	s20 =	simm.s32 $0xF  }
0xa: {  	s22 =	simm.s32 $0x10;
	[smem:$0x7FF] =	sst s3;
	s4 =	sand.u32 $0x1, s4  }
0xb: {  	s5 =	smul.u32 $0x38000, s7;
	s7 =	sshll.u32 s7, $0xC;
	_ =	strace $0x80000047  }
0xc: {  	s6 =	ssub.s32 $0x2, s4;
	s8 =	sshll.u32 s4, $0xB;
	s4 =	smul.u32 $0x1C000, s4  }
0xd: {  	s2 =	sadd.s32 s5, s2;
	s24 =	sshrl.u32 s6, $0x1;
	s7 =	sor.u32 s8, s7  }
.Ltmp0:
0xe: {  	s8 =	simm.s32 $0x32;
	s5 =	ssub.s32 s6, s24;
	(pc) =	sbr.rel .LBB2_1-.Ltmp0, $4  }
0xf: {  	s0 =	sadd.s32 s0, s7;
	s25 =	sadd.s32 s4, s2;
	s24 =	simm.s32 $0x1  }
0x10: {  	s4 =	simm.s32 $0x0;
	[dreg:$0x4] =	wrdreg s0;
	s26 =	smax.u32 s5, $0x1  }
0x11: {  	s0 =	sadd.s32 $0x400, s25;
	s25 =	simm.s32 $0x2;
	[dreg:$0x5] =	wrdreg s26  }
0x12: {  	[dreg:$0x6] =	wrdreg s0;
	s26 =	simm.s32 $0x3;
	s0 =	simm.s32 $0x8  }
.LBB2_4:
0x13: {  	s2 =	simm.s32 $0x9  }
0x14: {  	_ =	swait.ge [sflag:s2], $0x1900  }
0x15: {  	[sflag:s2] =	ssyncset.done $0x0  }
0x16: {  	s7 =	simm.s32 $0xA;
	[sflag:s2] =	ssyncadd.s32 $0xFFFFE700  }
0x17: {  	_ =	swait.ge [sflag:s7], $0x1900  }
0x18: {  	[sflag:s7] =	ssyncset.done $0x0  }
0x19: {  	s10 =	simm.s32 $0xB;
	[sflag:s7] =	ssyncadd.s32 $0xFFFFE700  }
0x1a: {  	_ =	swait.ge [sflag:s10], $0x1900  }
0x1b: {  	[sflag:s10] =	ssyncset.done $0x0  }
0x1c: {  	[sflag:s10] =	ssyncadd.s32 $0xFFFFE700  }
0x1d: {  	_ =	swait.ge [sflag:s14], $0x1900  }
0x1e: {  	[sflag:s14] =	ssyncset.done $0x0  }
0x1f: {  	[sflag:s14] =	ssyncadd.s32 $0xFFFFE700  }
0x20: {  	_ =	swait.ge [sflag:s16], $0x1900  }
0x21: {  	[sflag:s16] =	ssyncset.done $0x0  }
0x22: {  	[sflag:s16] =	ssyncadd.s32 $0xFFFFE700  }
0x23: {  	_ =	swait.ge [sflag:s18], $0x1900  }
0x24: {  	[sflag:s18] =	ssyncset.done $0x0  }
0x25: {  	[sflag:s18] =	ssyncadd.s32 $0xFFFFE700  }
0x26: {  	_ =	swait.ge [sflag:s20], $0x1900  }
0x27: {  	[sflag:s20] =	ssyncset.done $0x0  }
0x28: {  	[sflag:s20] =	ssyncadd.s32 $0xFFFFE700  }
0x29: {  	_ =	swait.ge [sflag:s22], $0x1900  }
0x2a: {  	s4 =	sadd.s32 $0x1, s4;
	s12 =	rddreg [dreg:$0x5]  }
0x2b: {  	p0 =	sne.s32 s4, s12  }
.Ltmp1:
0x2c: {  	_ = 	snop;
	(pc) =	sbr.rel @!p0 .LBB2_5-.Ltmp1, $3  }
0x2d: {  	_ =	sdelay $0x1  }
0x2e: {  	[sflag:s22] =	ssyncset.done $0x0  }
0x2f: {  	[sflag:s22] =	ssyncadd.s32 $0xFFFFE700  }
.LBB2_1:
0x30: {  	s2 =	rddreg [dreg:$0x4];
	s7 =	simm.s32 $0x11  }
0x31: {  	[tilespmem:s3], [sflag:$0x11] =	stream.linear.gather [hbm4b:s2+s3], $0x4000, $0x38;
	[tilespmem:$0x12000] =	vst v63  }
0x32: {  	_ =	swait.ge [sflag:s7], $0x4000  }
0x33: {  	[sflag:s7] =	ssyncset.done $0x0  }
0x34: {  	[sflag:s7] =	ssyncadd.s32 $0xFFFFC000  }
0x35: {  	[tilespmem:s9], [sflag:$0x1] =	stream.indirect.gather [hbm4b:s1+s8], $0x80, s3, s8, $0xb8;
	[tilespmem:$0x12000] =	vst v63  }
0x36: {  	s10 =	simm.s32 $0x80  }
0x37: {  	[tilespmem:s11], [sflag:$0x2] =	stream.indirect.gather [hbm4b:s1+s8], $0x80, s10, s8, $0xb8;
	[tilespmem:$0x12000] =	vst v63  }
0x38: {  	s12 =	simm.s32 $0x100  }
0x39: {  	[tilespmem:s13], [sflag:$0x3] =	stream.indirect.gather [hbm4b:s1+s8], $0x80, s12, s8, $0xb8;
	[tilespmem:$0x12000] =	vst v63  }
0x3a: {  	s5 =	simm.s32 $0x180  }
0x3b: {  	[tilespmem:s15], [sflag:$0x4] =	stream.indirect.gather [hbm4b:s1+s8], $0x80, s5, s8, $0xb8;
	[tilespmem:$0x12000] =	vst v63  }
0x3c: {  	s6 =	simm.s32 $0x200  }
0x3d: {  	[tilespmem:s17], [sflag:$0x5] =	stream.indirect.gather [hbm4b:s1+s8], $0x80, s6, s8, $0xb8;
	[tilespmem:$0x12000] =	vst v63  }
0x3e: {  	s7 =	simm.s32 $0x280  }
0x3f: {  	[tilespmem:s19], [sflag:$0x6] =	stream.indirect.gather [hbm4b:s1+s8], $0x80, s7, s8, $0xb8;
	[tilespmem:$0x12000] =	vst v63  }
0x40: {  	s10 =	simm.s32 $0x300  }
0x41: {  	[tilespmem:s21], [sflag:$0x7] =	stream.indirect.gather [hbm4b:s1+s8], $0x80, s10, s8, $0xb8;
	[tilespmem:$0x12000] =	vst v63  }
0x42: {  	s12 =	simm.s32 $0x380;
	s5 =	simm.s32 $0x0;
	s6 =	rddreg [dreg:$0x6]  }
0x43: {  	[tilespmem:s23], [sflag:$0x8] =	stream.indirect.gather [hbm4b:s1+s8], $0x80, s12, s8, $0xb8;
	[tilespmem:$0x12000] =	vst v63  }
.LBB2_2:
0x44: {  	_ =	swait.ge [sflag:s24], $0x1900  }
0x45: {  	p0 =	seq.s32 s5, $0xF000;
	[sflag:s24] =	ssyncset.done $0x0  }
0x46: {  	s2 =	simm.s32 @!p0 $0x9;
	[sflag:s24] =	ssyncadd.s32 $0xFFFFE700  }
0x47: {  	[hbm4b:s6+s3] =	stream.linear.scatter [tilespmem:s9], [sflag:$0x9], $0x1900, $0x38;
	[tilespmem:$0x12000] =	vst v63  }
0x48: {  	_ =	swait.ge @!p0 [sflag:s2], $0x1900  }
0x49: {  	s7 =	sshra.s32 @!p0 s5, $0x2;
	s12 =	simm.s32 @!p0 $0x4000;
	[sflag:s2] =	ssyncset.done @!p0 $0x0  }
0x4a: {  	s10 =	sadd.s32 @!p0 $0x400, s7;
	[sflag:s2] =	ssyncadd.s32 @!p0 $0xFFFFE700;
	s2 =	simm.s32 @!p0 $0x32  }
0x4b: {  	[tilespmem:s12], [sflag:$0x1] =	stream.indirect.gather @!p0 [hbm4b:s1+s2], $0x80, s10, s2, $0xb8;
	[tilespmem:$0x12000] =	vst v63  }
0x4c: {  	_ =	swait.ge [sflag:s25], $0x1900  }
0x4d: {  	[sflag:s25] =	ssyncset.done $0x0  }
0x4e: {  	s12 =	sadd.s32 $0x380, s6;
	s10 =	simm.s32 @!p0 $0xA;
	[sflag:s25] =	ssyncadd.s32 $0xFFFFE700  }
0x4f: {  	[hbm4b:s12+s3] =	stream.linear.scatter [tilespmem:s11], [sflag:$0xA], $0x1900, $0x38;
	[tilespmem:$0x12000] =	vst v63  }
0x50: {  	_ =	swait.ge @!p0 [sflag:s10], $0x1900  }
0x51: {  	[sflag:s10] =	ssyncset.done @!p0 $0x0  }
0x52: {  	s12 =	simm.s32 @!p0 $0x5C00;
	[sflag:s10] =	ssyncadd.s32 @!p0 $0xFFFFE700;
	s10 =	sadd.s32 @!p0 $0x480, s7  }
0x53: {  	[tilespmem:s12], [sflag:$0x2] =	stream.indirect.gather @!p0 [hbm4b:s1+s2], $0x80, s10, s2, $0xb8;
	[tilespmem:$0x12000] =	vst v63  }
0x54: {  	_ =	swait.ge [sflag:s26], $0x1900  }
0x55: {  	[sflag:s26] =	ssyncset.done $0x0  }
0x56: {  	s12 =	sadd.s32 $0x700, s6;
	s10 =	simm.s32 @!p0 $0xB;
	[sflag:s26] =	ssyncadd.s32 $0xFFFFE700  }
0x57: {  	[hbm4b:s12+s3] =	stream.linear.scatter [tilespmem:s13], [sflag:$0xB], $0x1900, $0x38;
	[tilespmem:$0x12000] =	vst v63  }
0x58: {  	_ =	swait.ge @!p0 [sflag:s10], $0x1900  }
0x59: {  	[sflag:s10] =	ssyncset.done @!p0 $0x0  }
0x5a: {  	s12 =	simm.s32 @!p0 $0x7800;
	[sflag:s10] =	ssyncadd.s32 @!p0 $0xFFFFE700;
	s10 =	sadd.s32 @!p0 $0x500, s7  }
0x5b: {  	[tilespmem:s12], [sflag:$0x3] =	stream.indirect.gather @!p0 [hbm4b:s1+s2], $0x80, s10, s2, $0xb8;
	[tilespmem:$0x12000] =	vst v63  }
0x5c: {  	_ =	swait.ge [sflag:s28], $0x1900  }
0x5d: {  	[sflag:s28] =	ssyncset.done $0x0  }
0x5e: {  	s12 =	sadd.s32 $0xA80, s6;
	s10 =	simm.s32 @!p0 $0xC;
	[sflag:s28] =	ssyncadd.s32 $0xFFFFE700  }
0x5f: {  	[hbm4b:s12+s3] =	stream.linear.scatter [tilespmem:s15], [sflag:$0xC], $0x1900, $0x38;
	[tilespmem:$0x12000] =	vst v63  }
0x60: {  	_ =	swait.ge @!p0 [sflag:s10], $0x1900  }
0x61: {  	[sflag:s10] =	ssyncset.done @!p0 $0x0  }
0x62: {  	s12 =	simm.s32 @!p0 $0x9400;
	[sflag:s10] =	ssyncadd.s32 @!p0 $0xFFFFE700;
	s10 =	sadd.s32 @!p0 $0x580, s7  }
0x63: {  	[tilespmem:s12], [sflag:$0x4] =	stream.indirect.gather @!p0 [hbm4b:s1+s2], $0x80, s10, s2, $0xb8;
	[tilespmem:$0x12000] =	vst v63  }
0x64: {  	_ =	swait.ge [sflag:s29], $0x1900  }
0x65: {  	[sflag:s29] =	ssyncset.done $0x0  }
0x66: {  	s12 =	sadd.s32 $0xE00, s6;
	s10 =	simm.s32 @!p0 $0xD;
	[sflag:s29] =	ssyncadd.s32 $0xFFFFE700  }
0x67: {  	[hbm4b:s12+s3] =	stream.linear.scatter [tilespmem:s17], [sflag:$0xD], $0x1900, $0x38;
	[tilespmem:$0x12000] =	vst v63  }
0x68: {  	_ =	swait.ge @!p0 [sflag:s10], $0x1900  }
0x69: {  	[sflag:s10] =	ssyncset.done @!p0 $0x0  }
0x6a: {  	s12 =	simm.s32 @!p0 $0xB000;
	[sflag:s10] =	ssyncadd.s32 @!p0 $0xFFFFE700;
	s10 =	sadd.s32 @!p0 $0x600, s7  }
0x6b: {  	[tilespmem:s12], [sflag:$0x5] =	stream.indirect.gather @!p0 [hbm4b:s1+s2], $0x80, s10, s2, $0xb8;
	[tilespmem:$0x12000] =	vst v63  }
0x6c: {  	_ =	swait.ge [sflag:s30], $0x1900  }
0x6d: {  	[sflag:s30] =	ssyncset.done $0x0  }
0x6e: {  	s12 =	sadd.s32 $0x1180, s6;
	s10 =	simm.s32 @!p0 $0xE;
	[sflag:s30] =	ssyncadd.s32 $0xFFFFE700  }
0x6f: {  	[hbm4b:s12+s3] =	stream.linear.scatter [tilespmem:s19], [sflag:$0xE], $0x1900, $0x38;
	[tilespmem:$0x12000] =	vst v63  }
0x70: {  	_ =	swait.ge @!p0 [sflag:s10], $0x1900  }
0x71: {  	[sflag:s10] =	ssyncset.done @!p0 $0x0  }
0x72: {  	s12 =	simm.s32 @!p0 $0xCC00;
	[sflag:s10] =	ssyncadd.s32 @!p0 $0xFFFFE700;
	s10 =	sadd.s32 @!p0 $0x680, s7  }
0x73: {  	[tilespmem:s12], [sflag:$0x6] =	stream.indirect.gather @!p0 [hbm4b:s1+s2], $0x80, s10, s2, $0xb8;
	[tilespmem:$0x12000] =	vst v63  }
0x74: {  	_ =	swait.ge [sflag:s31], $0x1900  }
0x75: {  	[sflag:s31] =	ssyncset.done $0x0  }
0x76: {  	s12 =	sadd.s32 $0x1500, s6;
	s10 =	simm.s32 @!p0 $0xF;
	[sflag:s31] =	ssyncadd.s32 $0xFFFFE700  }
0x77: {  	[hbm4b:s12+s3] =	stream.linear.scatter [tilespmem:s21], [sflag:$0xF], $0x1900, $0x38;
	[tilespmem:$0x12000] =	vst v63  }
0x78: {  	_ =	swait.ge @!p0 [sflag:s10], $0x1900  }
0x79: {  	[sflag:s10] =	ssyncset.done @!p0 $0x0  }
0x7a: {  	s7 =	sadd.s32 @!p0 $0x700, s7;
	[sflag:s10] =	ssyncadd.s32 @!p0 $0xFFFFE700;
	s10 =	simm.s32 @!p0 $0xE800  }
0x7b: {  	[tilespmem:s10], [sflag:$0x7] =	stream.indirect.gather @!p0 [hbm4b:s1+s2], $0x80, s7, s2, $0xb8;
	[tilespmem:$0x12000] =	vst v63  }
.Ltmp2:
0x7c: {  	_ = 	snop;
	(pc) =	sbr.rel @p0 .LBB2_4-.Ltmp2, $4  }
0x7d: {  	_ =	swait.ge [sflag:s0], $0x1900  }
0x7e: {  	[sflag:s0] =	ssyncset.done $0x0  }
0x7f: {  	s12 =	sadd.s32 $0x1880, s6;
	[sflag:s0] =	ssyncadd.s32 $0xFFFFE700  }
0x80: {  	[hbm4b:s12+s3] =	stream.linear.scatter [tilespmem:s23], [sflag:$0x10], $0x1900, $0x38;
	[tilespmem:$0x12000] =	vst v63  }
.Ltmp3:
0x81: {  	(pc) =	sbr.rel .LBB2_2-.Ltmp3, $4  }
0x82: {  	_ =	swait.ge [sflag:s22], $0x1900  }
0x83: {  	s2 =	sshra.s32 s5, $0x2;
	s5 =	sadd.s32 $0x1000, s5;
	[sflag:s22] =	ssyncset.done $0x0  }
0x84: {  	s6 =	sadd.s32 $0x1C00, s6;
	s2 =	sadd.s32 $0x780, s2;
	[sflag:s22] =	ssyncadd.s32 $0xFFFFE700  }
0x85: {  	[tilespmem:s23], [sflag:$0x8] =	stream.indirect.gather [hbm4b:s1+s8], $0x80, s2, s8, $0xb8;
	[tilespmem:$0x12000] =	vst v63  }
.LBB2_5:
0x86: {  	_ =	sfence.sel $0x180000  }
0x87: {  	[bflag:$0x0] =	sbarrier.arrive $0xFFFF  }
0x88: {  	_ =	strace $0x90000047  }
0x89: {  	s0 =	stileid.u32;
	[bflag:$0x2] =	sbarrier.arrive $0xFFFF  }
0x8a: {  	p0 =	sne.s32 s0, $0x0;
	s0 =	rddreg [dreg:$0x3]  }
0x8b: {  	s0 =	sadd.s32 @!p0 $0x100000, s0  }
0x8c: {  	[sflag:s0] =	ssyncadd.tile.s32 @!p0 $0x1;
	_ =	shalt  }
.Lfunc_end2:
_tile_overlayer_lowered:
.L_overlay_start_2:
0x8d: {  	(tag) =	ssettag $0x2  }
0x8e: {  	s0 =	rddreg [dreg:$0x0];
	s2 =	stileid.u32  }
0x8f: {  	s1 =	rddreg [dreg:$0x1];
	p0 =	sne.s32 s2, $0x0  }
0x90: {  	s3 =	rddreg [dreg:$0x2];
	[bflag:$0x3] =	sbarrier.arrive $0xFFFF;
	s2 =	simm.s32 @!p0 $0x1C11  }
0x91: {  	[timem:s3], [sflag:s2] =	dma.local @!p0 [hbm:s0], s1  }
0x92: {  	s0 =	simm.s32 @!p0 $0x11  }
0x93: {  	_ =	swait.ge @!p0 [sflag:s0], s1  }
0x94: {  	s1 =	ssub.s32 @!p0 $0x0, s1;
	[sflag:s0] =	ssyncset.done @!p0 $0x0  }
0x95: {  	[sflag:s0] =	ssyncadd.s32 @!p0 s1  }
0x96: {  	[bflag:$0x3] =	sbarrier.arrive $0xFFFF  }
0x97: {  	_ =	shalt  }

</sc_bundles>
